<compile_context>
chip_gen: v7x
topology: tpu7x:2x2x1
jax: 0.10.2.dev20260603
libtpu: 0.0.44.dev20260713+nightly
codegen_flags: <defaults>
</compile_context>

<pallas_src>
import functools

import jax
import jax.numpy as jnp
from jax import lax
from jax.experimental import pallas as pl
from jax.experimental.pallas import tpu as pltpu
from jax.experimental.pallas import tpu_sc as plsc

B, C, N = 8, 64, 2048
K64 = 64
NSLOT = 48
RB = 256
PB = 128
NW = 32
GCHUNK = 512


def _topk_body(pts_ref, ptst_ref, out_ref):
    b = pl.program_id(0)
    p3n = pts_ref[0]
    xj = p3n[0:1, :]
    yj = p3n[1:2, :]
    zj = p3n[2:3, :]
    sqj = (xj * xj + yj * yj) + zj * zj
    prb = ptst_ref[0]
    xi = prb[:, 0:1]
    yi = prb[:, 1:2]
    zi = prb[:, 2:3]
    sqi = (xi * xi + yi * yi) + zi * zi
    rnd = lambda v: v.astype(jnp.bfloat16).astype(jnp.float32)
    xib, yib, zib = rnd(xi), rnd(yi), rnd(zi)
    xjb, yjb, zjb = rnd(xj), rnd(yj), rnd(zj)
    inner = (xib * xjb + yib * yjb) + zib * zjb
    d = (sqi - 2.0 * inner) + sqj
    iota = lax.broadcasted_iota(jnp.int32, (RB, N), 1)
    base = b * N
    inf = jnp.float32(jnp.inf)
    for j in range(K64):
        sel = jnp.argmin(d, axis=1, keepdims=True).astype(jnp.int32)
        if j % 2 == 0:
            col = j // 2
        elif j < 32:
            col = 32 + j // 2
        else:
            col = None
        if col is not None:
            out_ref[0, :, col:col + 1] = sel + base
        if j != K64 - 1:
            d = jnp.where(iota == sel, inf, d)


def _topk_idx(points, pts_t):
    return pl.pallas_call(
        _topk_body,
        grid=(B, N // RB),
        in_specs=[
            pl.BlockSpec((1, 3, N), lambda b, i: (b, 0, 0)),
            pl.BlockSpec((1, RB, 3), lambda b, i: (b, i, 0)),
        ],
        out_specs=pl.BlockSpec((1, RB, NSLOT), lambda b, i: (b, i, 0)),
        out_shape=jax.ShapeDtypeStruct((B, N, NSLOT), jnp.int32),
    )(points, pts_t)


def _pre_body(f_ref, w1_ref, b1_ref, w2_ref, b2_ref, out_ref):
    f = f_ref[...]
    a1 = jnp.maximum(jnp.dot(f, w1_ref[...], preferred_element_type=jnp.float32) + b1_ref[...], 0.0)
    a2 = jnp.maximum(jnp.dot(f, w2_ref[...], preferred_element_type=jnp.float32) + b2_ref[...], 0.0)
    out_ref[...] = jnp.concatenate([a1, a2], axis=1)


def _pre_table(f_t, W1aT, b1a, W2aT, b2a):
    RBP = 2048
    return pl.pallas_call(
        _pre_body,
        grid=(B * N // RBP,),
        in_specs=[
            pl.BlockSpec((RBP, C), lambda i: (i, 0)),
            pl.BlockSpec((C, C), lambda i: (0, 0)),
            pl.BlockSpec((1, C), lambda i: (0, 0)),
            pl.BlockSpec((C, C), lambda i: (0, 0)),
            pl.BlockSpec((1, C), lambda i: (0, 0)),
        ],
        out_specs=pl.BlockSpec((RBP, 2 * C), lambda i: (i, 0)),
        out_shape=jax.ShapeDtypeStruct((B * N, 2 * C), jnp.float32),
    )(f_t, W1aT, b1a.reshape(1, C), W2aT, b2a.reshape(1, C))


def _sc_gather(table, gidx):
    nrows = gidx.shape[0]
    per_w = nrows // NW
    nchunk = per_w // GCHUNK
    mesh = plsc.VectorSubcoreMesh(core_axis_name="c", subcore_axis_name="s")

    @functools.partial(
        pl.kernel,
        mesh=mesh,
        out_type=jax.ShapeDtypeStruct((nrows, 2 * C), jnp.float32),
        scratch_types=[
            pltpu.VMEM((GCHUNK,), jnp.int32),
            pltpu.VMEM((GCHUNK, 2 * C), jnp.float32),
            pltpu.SemaphoreType.DMA,
        ],
    )
    def gath(table_hbm, gidx_hbm, out_hbm, idx_v, rows_v, sem):
        wid = lax.axis_index("s") * 2 + lax.axis_index("c")
        wbase = wid * per_w

        def body(i, _):
            base = wbase + i * GCHUNK
            pltpu.sync_copy(gidx_hbm.at[pl.ds(base, GCHUNK)], idx_v)
            pltpu.async_copy(table_hbm.at[idx_v], rows_v, sem).wait()
            pltpu.sync_copy(rows_v, out_hbm.at[pl.ds(base, GCHUNK)])
            return 0

        lax.fori_loop(0, nchunk, body, 0)

    return gath(table, gidx)


def _mlp_body(g_ref, w1b_ref, b1b_ref, w1c_ref, b1c_ref,
              w2b_ref, b2b_ref, w2c_ref, b2c_ref,
              wm1_ref, bm1_ref, wm2_ref, bm2_ref, wm3_ref, bm3_ref, out_ref):
    bf = jnp.bfloat16
    x = g_ref[...].reshape(PB, NSLOT, 2 * C)
    x2 = x[:, 0:32, C:2 * C].reshape(PB * 32, C).astype(bf)
    x1 = jnp.concatenate([x[:, 0:16, 0:C], x[:, 32:48, 0:C]], axis=1).reshape(PB * 32, C).astype(bf)

    def branch(h, wb, bb, wc, bc):
        h = jnp.maximum(jnp.dot(h, wb.astype(bf), preferred_element_type=jnp.float32) + bb, 0.0)
        h = jnp.dot(h.astype(bf), wc.astype(bf), preferred_element_type=jnp.float32) + bc
        return jnp.max(h.reshape(PB, 32, 128), axis=1)

    lf1 = branch(x1, w1b_ref[...], b1b_ref[...], w1c_ref[...], b1c_ref[...])
    lf2 = branch(x2, w2b_ref[...], b2b_ref[...], w2c_ref[...], b2c_ref[...])
    lf = jnp.concatenate([lf1, lf2], axis=1).astype(bf)
    h = jnp.maximum(jnp.dot(lf, wm1_ref[...].astype(bf), preferred_element_type=jnp.float32) + bm1_ref[...], 0.0)
    h = jnp.maximum(jnp.dot(h.astype(bf), wm2_ref[...].astype(bf), preferred_element_type=jnp.float32) + bm2_ref[...], 0.0)
    h = jnp.dot(h.astype(bf), wm3_ref[...].astype(bf), preferred_element_type=jnp.float32) + bm3_ref[...]
    out_ref[0] = h.T


def _mlp(gact, wts):
    full = lambda shape: pl.BlockSpec(shape, lambda b, i: tuple(0 for _ in shape))
    in_specs = [pl.BlockSpec((PB * NSLOT, 2 * C), lambda b, i: (b * (N // PB) + i, 0))]
    in_specs += [full(w.shape) for w in wts]
    return pl.pallas_call(
        _mlp_body,
        grid=(B, N // PB),
        in_specs=in_specs,
        out_specs=pl.BlockSpec((1, 1024, PB), lambda b, i: (b, 0, i)),
        out_shape=jax.ShapeDtypeStruct((B, 1024, N), jnp.float32),
    )(gact, *wts)


def kernel(points, features, W1a, b1a, W1b, b1b, W1c, b1c, W2a, b2a, W2b, b2b,
           W2c, b2c, Wm1, bm1, Wm2, bm2, Wm3, bm3):
    pts_t = jnp.transpose(points, (0, 2, 1))
    gidx = _topk_idx(points, pts_t)
    f_t = jnp.transpose(features, (0, 2, 1)).reshape(B * N, C)
    table = _pre_table(f_t, W1a.T, b1a, W2a.T, b2a)
    gact = _sc_gather(table, gidx.reshape(-1))
    wts = (W1b.T, b1b.reshape(1, -1), W1c.T, b1c.reshape(1, -1),
           W2b.T, b2b.reshape(1, -1), W2c.T, b2c.reshape(1, -1),
           Wm1.T, bm1.reshape(1, -1), Wm2.T, bm2.reshape(1, -1), Wm3.T, bm3.reshape(1, -1))
    return _mlp(gact, wts)

# --- scband reference (transcript-rebuilt; emitter-appended) ---
"""Pipeline reference for scband-ri-decoder-68487548502101 (READ-ONLY COPY).

The authoritative reference and input builder live on the scoring server;
editing this copy changes nothing except your own understanding.
"""

import jax, jax.numpy as jnp
import numpy as np

KNN_K = 32
DILATION = 2

def _knn_idx(points, k):
    # points: [B, C, N]
    inner = jnp.einsum('bcn,bcm->bnm', points, points)
    sq = jnp.sum(points * points, axis=1)  # [B, N]
    dist = sq[:, :, None] - 2.0 * inner + sq[:, None, :]  # [B, N, N]
    _, idx = jax.lax.top_k(-dist, k)  # nearest k (incl. self)
    return idx  # [B, N, k]

def _dilated_knn_idx(points, k, dilation):
    idx = _knn_idx(points, k * dilation)
    return idx[:, :, ::dilation]  # [B, N, k]

def _get_edge_features(x, idx):
    # x: [B, C, N], idx: [B, N, k] -> [B, C, k, N]
    xt = jnp.transpose(x, (0, 2, 1))  # [B, N, C]
    neigh = jax.vmap(lambda xb, ib: xb[ib])(xt, idx)  # [B, N, k, C]
    return jnp.transpose(neigh, (0, 3, 2, 1))

def _conv2d(x, W, b):
    return jnp.einsum('oc,bckn->bokn', W, x) + b[None, :, None, None]

def _conv1d(x, W, b):
    return jnp.einsum('oc,bcn->bon', W, x) + b[None, :, None]

def setup_inputs(seed: int = 0):
    key = jax.random.key(seed)
    ks = jax.random.split(key, 12)
    B, C, N = 8, 64, 2048
    points = jax.random.normal(ks[0], (B, 3, N), dtype=jnp.float32)
    features = jax.random.normal(ks[1], (B, C, N), dtype=jnp.float32)
    def w(k, o, i):
        return jax.random.normal(k, (o, i), dtype=jnp.float32) * np.float32(1.0 / np.sqrt(i))
    return {
        'points': points, 'features': features,
        'W1a': w(ks[2], 64, 64), 'b1a': jnp.zeros((64,), jnp.float32),
        'W1b': w(ks[3], 128, 64), 'b1b': jnp.zeros((128,), jnp.float32),
        'W1c': w(ks[4], 128, 128), 'b1c': jnp.zeros((128,), jnp.float32),
        'W2a': w(ks[5], 64, 64), 'b2a': jnp.zeros((64,), jnp.float32),
        'W2b': w(ks[6], 128, 64), 'b2b': jnp.zeros((128,), jnp.float32),
        'W2c': w(ks[7], 128, 128), 'b2c': jnp.zeros((128,), jnp.float32),
        'Wm1': w(ks[8], 512, 256), 'bm1': jnp.zeros((512,), jnp.float32),
        'Wm2': w(ks[9], 1024, 512), 'bm2': jnp.zeros((1024,), jnp.float32),
        'Wm3': w(ks[10], 1024, 1024), 'bm3': jnp.zeros((1024,), jnp.float32),
    }

def reference(points, features, W1a, b1a, W1b, b1b, W1c, b1c,
              W2a, b2a, W2b, b2b, W2c, b2c,
              Wm1, bm1, Wm2, bm2, Wm3, bm3):
    idx = _knn_idx(points, KNN_K)
    idx_d = _dilated_knn_idx(points, KNN_K, DILATION)
    points_knn = _get_edge_features(features, idx)      # [B, C, k, N]
    points_knn_d = _get_edge_features(features, idx_d)  # [B, C, k, N]
    h = jax.nn.relu(_conv2d(points_knn, W1a, b1a))
    h = jax.nn.relu(_conv2d(h, W1b, b1b))
    h = _conv2d(h, W1c, b1c)
    hd = jax.nn.relu(_conv2d(points_knn_d, W2a, b2a))
    hd = jax.nn.relu(_conv2d(hd, W2b, b2b))
    hd = _conv2d(hd, W2c, b2c)
    lf1 = jnp.max(h, axis=2)   # [B, 128, N]
    lf2 = jnp.max(hd, axis=2)  # [B, 128, N]
    lf = jnp.concatenate([lf1, lf2], axis=1)  # [B, 256, N]
    m = jax.nn.relu(_conv1d(lf, Wm1, bm1))
    m = jax.nn.relu(_conv1d(m, Wm2, bm2))
    m = _conv1d(m, Wm3, bm3)
    return m  # [B, 1024, N]

if __name__ == "__main__":
    import jax
    _d = setup_inputs()
    print(jax.jit(kernel)(*tuple(_d.values())))

</pallas_src>

<mosaic_0001>
#map = affine_map<(d0, d1) -> (0, 0)>
#map1 = affine_map<(d0, d1) -> (0)>
module attributes {stable_mosaic.version = 14 : i64} {
  func.func @gath(%arg0: i32, %arg1: i32, %arg2: memref<16384x128xf32, #tpu.memory_space<hbm>>, %arg3: memref<786432xi32, #tpu.memory_space<hbm>>, %arg4: memref<786432x128xf32, #tpu.memory_space<hbm>>, %arg5: memref<512xi32, #tpu.memory_space<vmem>>, %arg6: memref<512x128xf32, #tpu.memory_space<vmem>>, %arg7: memref<!tpu.dma_semaphore, #tpu.memory_space<semaphore_mem>>) attributes {dimension_semantics = [#tpu.dimension_semantics<core_parallel>, #tpu.dimension_semantics<subcore_parallel>], iteration_bounds = array<i64: 2, 16>, scalar_prefetch = 0 : i64, scratch_operands = 3 : i64, tpu.core_type = #tpu.core_type<sc_vector_subcore>, window_params = [{transform_indices = #map}, {transform_indices = #map1}, {transform_indices = #map}]} {
    %mul3A = arith.constant 2 : i32
    %mul3A_0 = arith.muli %arg1, %mul3A : i32
    %add3A = arith.addi %mul3A_0, %arg0 : i32
    %mul3A_1 = arith.constant 24576 : i32
    %mul3A_2 = arith.muli %add3A, %mul3A_1 : i32
    %scan3A = arith.constant 0 : i32
    %scan3A_3 = arith.constant 0 : i32
    %scan3A_4 = arith.constant 48 : i32
    %scan3A_5 = arith.addi %scan3A_3, %scan3A_4 : i32
    %scan3A_6 = arith.constant 1 : i32
    %scan3A_7 = scf.for %scan3A_9 = %scan3A_3 to %scan3A_5 step %scan3A_6 iter_args(%scan3A_10 = %scan3A) -> (i32)  : i32 {
      %mul3A_11 = arith.constant 512 : i32
      %mul3A_12 = arith.muli %scan3A_9, %mul3A_11 : i32
      %add3A_13 = arith.addi %mul3A_2, %mul3A_12 : i32
      "tpu.region"() ({
        %run_scoped3A = tpu.sem_alloc : memref<!tpu.dma_semaphore, #tpu.memory_space<semaphore_mem>>
        %dma_start3A_19 = tpu.memref_slice %arg3[%add3A_13] : memref<786432xi32, #tpu.memory_space<hbm>> -> memref<512xi32, #tpu.memory_space<hbm>>
        %dma_start3A_20 = tpu.memref_slice %arg3[%add3A_13] : memref<786432xi32, #tpu.memory_space<hbm>> -> memref<512xi32, #tpu.memory_space<hbm>>
        tpu.enqueue_dma source(%dma_start3A_20 : memref<512xi32, #tpu.memory_space<hbm>>) target(%arg5 : memref<512xi32, #tpu.memory_space<vmem>>) target_semaphore(%run_scoped3A : memref<!tpu.dma_semaphore, #tpu.memory_space<semaphore_mem>>)
        %dma_wait3A_21 = tpu.memref_slice %arg3[%add3A_13] : memref<786432xi32, #tpu.memory_space<hbm>> -> memref<512xi32, #tpu.memory_space<hbm>>
        %dma_wait3A_22 = tpu.memref_slice %arg3[%add3A_13] : memref<786432xi32, #tpu.memory_space<hbm>> -> memref<512xi32, #tpu.memory_space<hbm>>
        tpu.wait_dma2 semaphore(%run_scoped3A : memref<!tpu.dma_semaphore, #tpu.memory_space<semaphore_mem>>) src(%dma_wait3A_22 : memref<512xi32, #tpu.memory_space<hbm>>) dst(%arg5 : memref<512xi32, #tpu.memory_space<vmem>>)
        tpu.yield
      }) : () -> ()
      %dma_start3A = arith.constant 0 : i32
      %dma_start3A_14 = arith.constant 0 : i32
      %dma_start3A_15 = tpu.memref_slice %arg2[%dma_start3A, %dma_start3A_14] : memref<16384x128xf32, #tpu.memory_space<hbm>> -> memref<16384x128xf32, #tpu.memory_space<hbm>>
      tpu.enqueue_indirect_dma source(%dma_start3A_15 : memref<16384x128xf32, #tpu.memory_space<hbm>>) target(%arg6 : memref<512x128xf32, #tpu.memory_space<vmem>>) offsets(%arg5 : memref<512xi32, #tpu.memory_space<vmem>>) semaphore(%arg7 : memref<!tpu.dma_semaphore, #tpu.memory_space<semaphore_mem>>)
      %dma_wait3A = arith.constant 0 : i32
      %dma_wait3A_16 = arith.constant 0 : i32
      %dma_wait3A_17 = tpu.memref_slice %arg2[%dma_wait3A, %dma_wait3A_16] : memref<16384x128xf32, #tpu.memory_space<hbm>> -> memref<16384x128xf32, #tpu.memory_space<hbm>>
      tpu.wait_indirect_dma semaphore(%arg7 : memref<!tpu.dma_semaphore, #tpu.memory_space<semaphore_mem>>) src(%dma_wait3A_17 : memref<16384x128xf32, #tpu.memory_space<hbm>>) dst(%arg6 : memref<512x128xf32, #tpu.memory_space<vmem>>)
      "tpu.region"() ({
        %run_scoped3A = tpu.sem_alloc : memref<!tpu.dma_semaphore, #tpu.memory_space<semaphore_mem>>
        %dma_start3A_19 = arith.constant 0 : i32
        %dma_start3A_20 = tpu.memref_slice %arg4[%add3A_13, %dma_start3A_19] : memref<786432x128xf32, #tpu.memory_space<hbm>> -> memref<512x128xf32, #tpu.memory_space<hbm>>
        %dma_start3A_21 = arith.constant 0 : i32
        %dma_start3A_22 = tpu.memref_slice %arg4[%add3A_13, %dma_start3A_21] : memref<786432x128xf32, #tpu.memory_space<hbm>> -> memref<512x128xf32, #tpu.memory_space<hbm>>
        tpu.enqueue_dma source(%arg6 : memref<512x128xf32, #tpu.memory_space<vmem>>) target(%dma_start3A_22 : memref<512x128xf32, #tpu.memory_space<hbm>>) target_semaphore(%run_scoped3A : memref<!tpu.dma_semaphore, #tpu.memory_space<semaphore_mem>>)
        %dma_wait3A_23 = arith.constant 0 : i32
        %dma_wait3A_24 = tpu.memref_slice %arg4[%add3A_13, %dma_wait3A_23] : memref<786432x128xf32, #tpu.memory_space<hbm>> -> memref<512x128xf32, #tpu.memory_space<hbm>>
        %dma_wait3A_25 = arith.constant 0 : i32
        %dma_wait3A_26 = tpu.memref_slice %arg4[%add3A_13, %dma_wait3A_25] : memref<786432x128xf32, #tpu.memory_space<hbm>> -> memref<512x128xf32, #tpu.memory_space<hbm>>
        tpu.wait_dma2 semaphore(%run_scoped3A : memref<!tpu.dma_semaphore, #tpu.memory_space<semaphore_mem>>) src(%arg6 : memref<512x128xf32, #tpu.memory_space<vmem>>) dst(%dma_wait3A_26 : memref<512x128xf32, #tpu.memory_space<hbm>>)
        tpu.yield
      }) : () -> ()
      %scan3A_18 = arith.constant 0 : i32
      scf.yield %scan3A_18 : i32
    }
    %scan3A_8 = arith.constant 48 : i32
    return
  }
}

module attributes {stable_mosaic.version = 14 : i64} {
  func.func @_topk_body(%arg0: i32, %arg1: i32, %arg2: memref<1x3x2048xf32, #tpu.memory_space<vmem>>, %arg3: memref<1x256x3xf32, #tpu.memory_space<vmem>>, %arg4: memref<1x256x48xi32, #tpu.memory_space<vmem>>) attributes {dimension_semantics = [#tpu.dimension_semantics<arbitrary>, #tpu.dimension_semantics<arbitrary>], iteration_bounds = array<i64: 8, 8>, scalar_prefetch = 0 : i64, scratch_operands = 0 : i64, tpu.core_type = #tpu.core_type<tc>, window_params = [{transform_indices = @transform_0, window_bounds = array<i64: 1, 3, 2048>}, {transform_indices = @transform_1, window_bounds = array<i64: 1, 256, 3>}, {transform_indices = @transform_2, window_bounds = array<i64: 1, 256, 48>}]} {
    %get3A = arith.constant 0 : index
    %get3A_0 = arith.constant 0 : index
    %get3A_1 = arith.constant 0 : index
    %get3A_2 = vector.load %arg2[%get3A, %get3A_0, %get3A_1] : memref<1x3x2048xf32, #tpu.memory_space<vmem>>, vector<1x3x2048xf32>
    %get3A_3 = vector.shape_cast %get3A_2 : vector<1x3x2048xf32> to vector<3x2048xf32>
    %slice3A = vector.extract_strided_slice %get3A_3 {offsets = [0, 0], sizes = [1, 2048], strides = [1, 1]} : vector<3x2048xf32> to vector<1x2048xf32>
    %slice3A_4 = vector.extract_strided_slice %get3A_3 {offsets = [1, 0], sizes = [1, 2048], strides = [1, 1]} : vector<3x2048xf32> to vector<1x2048xf32>
    %slice3A_5 = vector.extract_strided_slice %get3A_3 {offsets = [2, 0], sizes = [1, 2048], strides = [1, 1]} : vector<3x2048xf32> to vector<1x2048xf32>
    %mul3A = arith.mulf %slice3A, %slice3A : vector<1x2048xf32>
    %mul3A_6 = arith.mulf %slice3A_4, %slice3A_4 : vector<1x2048xf32>
    %add3A = arith.addf %mul3A, %mul3A_6 : vector<1x2048xf32>
    %mul3A_7 = arith.mulf %slice3A_5, %slice3A_5 : vector<1x2048xf32>
    %add3A_8 = arith.addf %add3A, %mul3A_7 : vector<1x2048xf32>
    %get3A_9 = arith.constant 0 : index
    %get3A_10 = arith.constant 0 : index
    %get3A_11 = arith.constant 0 : index
    %get3A_12 = vector.load %arg3[%get3A_9, %get3A_10, %get3A_11] : memref<1x256x3xf32, #tpu.memory_space<vmem>>, vector<1x256x3xf32>
    %get3A_13 = vector.shape_cast %get3A_12 : vector<1x256x3xf32> to vector<256x3xf32>
    %slice3A_14 = vector.extract_strided_slice %get3A_13 {offsets = [0, 0], sizes = [256, 1], strides = [1, 1]} : vector<256x3xf32> to vector<256x1xf32>
    %slice3A_15 = vector.extract_strided_slice %get3A_13 {offsets = [0, 1], sizes = [256, 1], strides = [1, 1]} : vector<256x3xf32> to vector<256x1xf32>
    %slice3A_16 = vector.extract_strided_slice %get3A_13 {offsets = [0, 2], sizes = [256, 1], strides = [1, 1]} : vector<256x3xf32> to vector<256x1xf32>
    %mul3A_17 = arith.mulf %slice3A_14, %slice3A_14 : vector<256x1xf32>
    %mul3A_18 = arith.mulf %slice3A_15, %slice3A_15 : vector<256x1xf32>
    %add3A_19 = arith.addf %mul3A_17, %mul3A_18 : vector<256x1xf32>
    %mul3A_20 = arith.mulf %slice3A_16, %slice3A_16 : vector<256x1xf32>
    %add3A_21 = arith.addf %add3A_19, %mul3A_20 : vector<256x1xf32>
    %convert_element_type3A = arith.truncf %slice3A_14 : vector<256x1xf32> to vector<256x1xbf16>
    %convert_element_type3A_22 = arith.extf %convert_element_type3A : vector<256x1xbf16> to vector<256x1xf32>
    %convert_element_type3A_23 = arith.truncf %slice3A_15 : vector<256x1xf32> to vector<256x1xbf16>
    %convert_element_type3A_24 = arith.extf %convert_element_type3A_23 : vector<256x1xbf16> to vector<256x1xf32>
    %convert_element_type3A_25 = arith.truncf %slice3A_16 : vector<256x1xf32> to vector<256x1xbf16>
    %convert_element_type3A_26 = arith.extf %convert_element_type3A_25 : vector<256x1xbf16> to vector<256x1xf32>
    %convert_element_type3A_27 = arith.truncf %slice3A : vector<1x2048xf32> to vector<1x2048xbf16>
    %convert_element_type3A_28 = arith.extf %convert_element_type3A_27 : vector<1x2048xbf16> to vector<1x2048xf32>
    %convert_element_type3A_29 = arith.truncf %slice3A_4 : vector<1x2048xf32> to vector<1x2048xbf16>
    %convert_element_type3A_30 = arith.extf %convert_element_type3A_29 : vector<1x2048xbf16> to vector<1x2048xf32>
    %convert_element_type3A_31 = arith.truncf %slice3A_5 : vector<1x2048xf32> to vector<1x2048xbf16>
    %convert_element_type3A_32 = arith.extf %convert_element_type3A_31 : vector<1x2048xbf16> to vector<1x2048xf32>
    %mul3A_33 = vector.broadcast %convert_element_type3A_22 : vector<256x1xf32> to vector<256x2048xf32>
    %mul3A_34 = vector.broadcast %convert_element_type3A_28 : vector<1x2048xf32> to vector<256x2048xf32>
    %mul3A_35 = arith.mulf %mul3A_33, %mul3A_34 : vector<256x2048xf32>
    %mul3A_36 = vector.broadcast %convert_element_type3A_24 : vector<256x1xf32> to vector<256x2048xf32>
    %mul3A_37 = vector.broadcast %convert_element_type3A_30 : vector<1x2048xf32> to vector<256x2048xf32>
    %mul3A_38 = arith.mulf %mul3A_36, %mul3A_37 : vector<256x2048xf32>
    %add3A_39 = arith.addf %mul3A_35, %mul3A_38 : vector<256x2048xf32>
    %mul3A_40 = vector.broadcast %convert_element_type3A_26 : vector<256x1xf32> to vector<256x2048xf32>
    %mul3A_41 = vector.broadcast %convert_element_type3A_32 : vector<1x2048xf32> to vector<256x2048xf32>
    %mul3A_42 = arith.mulf %mul3A_40, %mul3A_41 : vector<256x2048xf32>
    %add3A_43 = arith.addf %add3A_39, %mul3A_42 : vector<256x2048xf32>
    %mul3A_44 = arith.constant 2.000000e+00 : f32
    %mul3A_45 = vector.broadcast %mul3A_44 : f32 to vector<256x2048xf32>
    %mul3A_46 = arith.mulf %mul3A_45, %add3A_43 : vector<256x2048xf32>
    %sub3A = vector.broadcast %add3A_21 : vector<256x1xf32> to vector<256x2048xf32>
    %sub3A_47 = arith.subf %sub3A, %mul3A_46 : vector<256x2048xf32>
    %add3A_48 = vector.broadcast %add3A_8 : vector<1x2048xf32> to vector<256x2048xf32>
    %add3A_49 = arith.addf %sub3A_47, %add3A_48 : vector<256x2048xf32>
    %iota3A = tpu.iota {dimensions = array<i32: 1>} : vector<256x2048xi32>
    %mul3A_50 = arith.constant 2048 : i32
    %mul3A_51 = arith.muli %arg0, %mul3A_50 : i32
    %argmin3A = tpu.reduce_index %add3A_49 {axis = 1 : i32, kind = #tpu.reduction_kind<arg_min>} : vector<256x2048xf32> -> vector<256xi32>
    %broadcast_in_dim3A = vector.shape_cast %argmin3A : vector<256xi32> to vector<256x1xi32>
    %add3A_52 = vector.broadcast %mul3A_51 : i32 to vector<256x1xi32>
    %add3A_53 = arith.addi %broadcast_in_dim3A, %add3A_52 : vector<256x1xi32>
    %swap3A = arith.constant 0 : index
    %swap3A_54 = arith.constant 0 : index
    %swap3A_55 = arith.constant 0 : index
    %swap3A_56 = vector.load %arg4[%swap3A, %swap3A_54, %swap3A_55] : memref<1x256x48xi32, #tpu.memory_space<vmem>>, vector<1x256x1xi32>
    %swap3A_57 = vector.shape_cast %swap3A_56 : vector<1x256x1xi32> to vector<256x1xi32>
    %swap3A_58 = vector.shape_cast %add3A_53 : vector<256x1xi32> to vector<1x256x1xi32>
    tpu.vector_store %arg4[%swap3A, %swap3A_54, %swap3A_55], %swap3A_58 {strides = array<i32>} : memref<1x256x48xi32, #tpu.memory_space<vmem>>, vector<1x256x1xi32>,
    %eq3A = vector.broadcast %broadcast_in_dim3A : vector<256x1xi32> to vector<256x2048xi32>
    %eq3A_59 = arith.cmpi eq, %iota3A, %eq3A : vector<256x2048xi32>
    %jit3A = arith.constant 0x7F800000 : f32
    %broadcast_in_dim3A_60 = vector.broadcast %jit3A : f32 to vector<256x2048xf32>
    %select_n3A = arith.select %eq3A_59, %broadcast_in_dim3A_60, %add3A_49 : vector<256x2048xi1>, vector<256x2048xf32>
    %argmin3A_61 = tpu.reduce_index %select_n3A {axis = 1 : i32, kind = #tpu.reduction_kind<arg_min>} : vector<256x2048xf32> -> vector<256xi32>
    %broadcast_in_dim3A_62 = vector.shape_cast %argmin3A_61 : vector<256xi32> to vector<256x1xi32>
    %add3A_63 = vector.broadcast %mul3A_51 : i32 to vector<256x1xi32>
    %add3A_64 = arith.addi %broadcast_in_dim3A_62, %add3A_63 : vector<256x1xi32>
    %swap3A_65 = arith.constant 0 : index
    %swap3A_66 = arith.constant 0 : index
    %swap3A_67 = arith.constant 32 : index
    %swap3A_68 = vector.load %arg4[%swap3A_65, %swap3A_66, %swap3A_67] : memref<1x256x48xi32, #tpu.memory_space<vmem>>, vector<1x256x1xi32>
    %swap3A_69 = vector.shape_cast %swap3A_68 : vector<1x256x1xi32> to vector<256x1xi32>
    %swap3A_70 = vector.shape_cast %add3A_64 : vector<256x1xi32> to vector<1x256x1xi32>
    tpu.vector_store %arg4[%swap3A_65, %swap3A_66, %swap3A_67], %swap3A_70 {strides = array<i32>} : memref<1x256x48xi32, #tpu.memory_space<vmem>>, vector<1x256x1xi32>,
    %eq3A_71 = vector.broadcast %broadcast_in_dim3A_62 : vector<256x1xi32> to vector<256x2048xi32>
    %eq3A_72 = arith.cmpi eq, %iota3A, %eq3A_71 : vector<256x2048xi32>
    %jit3A_73 = arith.constant 0x7F800000 : f32
    %broadcast_in_dim3A_74 = vector.broadcast %jit3A_73 : f32 to vector<256x2048xf32>
    %select_n3A_75 = arith.select %eq3A_72, %broadcast_in_dim3A_74, %select_n3A : vector<256x2048xi1>, vector<256x2048xf32>
    %argmin3A_76 = tpu.reduce_index %select_n3A_75 {axis = 1 : i32, kind = #tpu.reduction_kind<arg_min>} : vector<256x2048xf32> -> vector<256xi32>
    %broadcast_in_dim3A_77 = vector.shape_cast %argmin3A_76 : vector<256xi32> to vector<256x1xi32>
    %add3A_78 = vector.broadcast %mul3A_51 : i32 to vector<256x1xi32>
    %add3A_79 = arith.addi %broadcast_in_dim3A_77, %add3A_78 : vector<256x1xi32>
    %swap3A_80 = arith.constant 0 : index
    %swap3A_81 = arith.constant 0 : index
    %swap3A_82 = arith.constant 1 : index
    %swap3A_83 = vector.load %arg4[%swap3A_80, %swap3A_81, %swap3A_82] : memref<1x256x48xi32, #tpu.memory_space<vmem>>, vector<1x256x1xi32>
    %swap3A_84 = vector.shape_cast %swap3A_83 : vector<1x256x1xi32> to vector<256x1xi32>
    %swap3A_85 = vector.shape_cast %add3A_79 : vector<256x1xi32> to vector<1x256x1xi32>
    tpu.vector_store %arg4[%swap3A_80, %swap3A_81, %swap3A_82], %swap3A_85 {strides = array<i32>} : memref<1x256x48xi32, #tpu.memory_space<vmem>>, vector<1x256x1xi32>,
    %eq3A_86 = vector.broadcast %broadcast_in_dim3A_77 : vector<256x1xi32> to vector<256x2048xi32>
    %eq3A_87 = arith.cmpi eq, %iota3A, %eq3A_86 : vector<256x2048xi32>
    %jit3A_88 = arith.constant 0x7F800000 : f32
    %broadcast_in_dim3A_89 = vector.broadcast %jit3A_88 : f32 to vector<256x2048xf32>
    %select_n3A_90 = arith.select %eq3A_87, %broadcast_in_dim3A_89, %select_n3A_75 : vector<256x2048xi1>, vector<256x2048xf32>
    %argmin3A_91 = tpu.reduce_index %select_n3A_90 {axis = 1 : i32, kind = #tpu.reduction_kind<arg_min>} : vector<256x2048xf32> -> vector<256xi32>
    %broadcast_in_dim3A_92 = vector.shape_cast %argmin3A_91 : vector<256xi32> to vector<256x1xi32>
    %add3A_93 = vector.broadcast %mul3A_51 : i32 to vector<256x1xi32>
    %add3A_94 = arith.addi %broadcast_in_dim3A_92, %add3A_93 : vector<256x1xi32>
    %swap3A_95 = arith.constant 0 : index
    %swap3A_96 = arith.constant 0 : index
    %swap3A_97 = arith.constant 33 : index
    %swap3A_98 = vector.load %arg4[%swap3A_95, %swap3A_96, %swap3A_97] : memref<1x256x48xi32, #tpu.memory_space<vmem>>, vector<1x256x1xi32>
    %swap3A_99 = vector.shape_cast %swap3A_98 : vector<1x256x1xi32> to vector<256x1xi32>
    %swap3A_100 = vector.shape_cast %add3A_94 : vector<256x1xi32> to vector<1x256x1xi32>
    tpu.vector_store %arg4[%swap3A_95, %swap3A_96, %swap3A_97], %swap3A_100 {strides = array<i32>} : memref<1x256x48xi32, #tpu.memory_space<vmem>>, vector<1x256x1xi32>,
    %eq3A_101 = vector.broadcast %broadcast_in_dim3A_92 : vector<256x1xi32> to vector<256x2048xi32>
    %eq3A_102 = arith.cmpi eq, %iota3A, %eq3A_101 : vector<256x2048xi32>
    %jit3A_103 = arith.constant 0x7F800000 : f32
    %broadcast_in_dim3A_104 = vector.broadcast %jit3A_103 : f32 to vector<256x2048xf32>
    %select_n3A_105 = arith.select %eq3A_102, %broadcast_in_dim3A_104, %select_n3A_90 : vector<256x2048xi1>, vector<256x2048xf32>
    %argmin3A_106 = tpu.reduce_index %select_n3A_105 {axis = 1 : i32, kind = #tpu.reduction_kind<arg_min>} : vector<256x2048xf32> -> vector<256xi32>
    %broadcast_in_dim3A_107 = vector.shape_cast %argmin3A_106 : vector<256xi32> to vector<256x1xi32>
    %add3A_108 = vector.broadcast %mul3A_51 : i32 to vector<256x1xi32>
    %add3A_109 = arith.addi %broadcast_in_dim3A_107, %add3A_108 : vector<256x1xi32>
    %swap3A_110 = arith.constant 0 : index
    %swap3A_111 = arith.constant 0 : index
    %swap3A_112 = arith.constant 2 : index
    %swap3A_113 = vector.load %arg4[%swap3A_110, %swap3A_111, %swap3A_112] : memref<1x256x48xi32, #tpu.memory_space<vmem>>, vector<1x256x1xi32>
    %swap3A_114 = vector.shape_cast %swap3A_113 : vector<1x256x1xi32> to vector<256x1xi32>
    %swap3A_115 = vector.shape_cast %add3A_109 : vector<256x1xi32> to vector<1x256x1xi32>
    tpu.vector_store %arg4[%swap3A_110, %swap3A_111, %swap3A_112], %swap3A_115 {strides = array<i32>} : memref<1x256x48xi32, #tpu.memory_space<vmem>>, vector<1x256x1xi32>,
    %eq3A_116 = vector.broadcast %broadcast_in_dim3A_107 : vector<256x1xi32> to vector<256x2048xi32>
    %eq3A_117 = arith.cmpi eq, %iota3A, %eq3A_116 : vector<256x2048xi32>
    %jit3A_118 = arith.constant 0x7F800000 : f32
    %broadcast_in_dim3A_119 = vector.broadcast %jit3A_118 : f32 to vector<256x2048xf32>
    %select_n3A_120 = arith.select %eq3A_117, %broadcast_in_dim3A_119, %select_n3A_105 : vector<256x2048xi1>, vector<256x2048xf32>
    %argmin3A_121 = tpu.reduce_index %select_n3A_120 {axis = 1 : i32, kind = #tpu.reduction_kind<arg_min>} : vector<256x2048xf32> -> vector<256xi32>
    %broadcast_in_dim3A_122 = vector.shape_cast %argmin3A_121 : vector<256xi32> to vector<256x1xi32>
    %add3A_123 = vector.broadcast %mul3A_51 : i32 to vector<256x1xi32>
    %add3A_124 = arith.addi %broadcast_in_dim3A_122, %add3A_123 : vector<256x1xi32>
    %swap3A_125 = arith.constant 0 : index
    %swap3A_126 = arith.constant 0 : index
    %swap3A_127 = arith.constant 34 : index
    %swap3A_128 = vector.load %arg4[%swap3A_125, %swap3A_126, %swap3A_127] : memref<1x256x48xi32, #tpu.memory_space<vmem>>, vector<1x256x1xi32>
    %swap3A_129 = vector.shape_cast %swap3A_128 : vector<1x256x1xi32> to vector<256x1xi32>
    %swap3A_130 = vector.shape_cast %add3A_124 : vector<256x1xi32> to vector<1x256x1xi32>
    tpu.vector_store %arg4[%swap3A_125, %swap3A_126, %swap3A_127], %swap3A_130 {strides = array<i32>} : memref<1x256x48xi32, #tpu.memory_space<vmem>>, vector<1x256x1xi32>,
    %eq3A_131 = vector.broadcast %broadcast_in_dim3A_122 : vector<256x1xi32> to vector<256x2048xi32>
    %eq3A_132 = arith.cmpi eq, %iota3A, %eq3A_131 : vector<256x2048xi32>
    %jit3A_133 = arith.constant 0x7F800000 : f32
    %broadcast_in_dim3A_134 = vector.broadcast %jit3A_133 : f32 to vector<256x2048xf32>
    %select_n3A_135 = arith.select %eq3A_132, %broadcast_in_dim3A_134, %select_n3A_120 : vector<256x2048xi1>, vector<256x2048xf32>
    %argmin3A_136 = tpu.reduce_index %select_n3A_135 {axis = 1 : i32, kind = #tpu.reduction_kind<arg_min>} : vector<256x2048xf32> -> vector<256xi32>
    %broadcast_in_dim3A_137 = vector.shape_cast %argmin3A_136 : vector<256xi32> to vector<256x1xi32>
    %add3A_138 = vector.broadcast %mul3A_51 : i32 to vector<256x1xi32>
    %add3A_139 = arith.addi %broadcast_in_dim3A_137, %add3A_138 : vector<256x1xi32>
    %swap3A_140 = arith.constant 0 : index
    %swap3A_141 = arith.constant 0 : index
    %swap3A_142 = arith.constant 3 : index
    %swap3A_143 = vector.load %arg4[%swap3A_140, %swap3A_141, %swap3A_142] : memref<1x256x48xi32, #tpu.memory_space<vmem>>, vector<1x256x1xi32>
    %swap3A_144 = vector.shape_cast %swap3A_143 : vector<1x256x1xi32> to vector<256x1xi32>
    %swap3A_145 = vector.shape_cast %add3A_139 : vector<256x1xi32> to vector<1x256x1xi32>
    tpu.vector_store %arg4[%swap3A_140, %swap3A_141, %swap3A_142], %swap3A_145 {strides = array<i32>} : memref<1x256x48xi32, #tpu.memory_space<vmem>>, vector<1x256x1xi32>,
    %eq3A_146 = vector.broadcast %broadcast_in_dim3A_137 : vector<256x1xi32> to vector<256x2048xi32>
    %eq3A_147 = arith.cmpi eq, %iota3A, %eq3A_146 : vector<256x2048xi32>
    %jit3A_148 = arith.constant 0x7F800000 : f32
    %broadcast_in_dim3A_149 = vector.broadcast %jit3A_148 : f32 to vector<256x2048xf32>
    %select_n3A_150 = arith.select %eq3A_147, %broadcast_in_dim3A_149, %select_n3A_135 : vector<256x2048xi1>, vector<256x2048xf32>
    %argmin3A_151 = tpu.reduce_index %select_n3A_150 {axis = 1 : i32, kind = #tpu.reduction_kind<arg_min>} : vector<256x2048xf32> -> vector<256xi32>
    %broadcast_in_dim3A_152 = vector.shape_cast %argmin3A_151 : vector<256xi32> to vector<256x1xi32>
    %add3A_153 = vector.broadcast %mul3A_51 : i32 to vector<256x1xi32>
    %add3A_154 = arith.addi %broadcast_in_dim3A_152, %add3A_153 : vector<256x1xi32>
    %swap3A_155 = arith.constant 0 : index
    %swap3A_156 = arith.constant 0 : index
    %swap3A_157 = arith.constant 35 : index
    %swap3A_158 = vector.load %arg4[%swap3A_155, %swap3A_156, %swap3A_157] : memref<1x256x48xi32, #tpu.memory_space<vmem>>, vector<1x256x1xi32>
    %swap3A_159 = vector.shape_cast %swap3A_158 : vector<1x256x1xi32> to vector<256x1xi32>
    %swap3A_160 = vector.shape_cast %add3A_154 : vector<256x1xi32> to vector<1x256x1xi32>
    tpu.vector_store %arg4[%swap3A_155, %swap3A_156, %swap3A_157], %swap3A_160 {strides = array<i32>} : memref<1x256x48xi32, #tpu.memory_space<vmem>>, vector<1x256x1xi32>,
    %eq3A_161 = vector.broadcast %broadcast_in_dim3A_152 : vector<256x1xi32> to vector<256x2048xi32>
    %eq3A_162 = arith.cmpi eq, %iota3A, %eq3A_161 : vector<256x2048xi32>
    %jit3A_163 = arith.constant 0x7F800000 : f32
    %broadcast_in_dim3A_164 = vector.broadcast %jit3A_163 : f32 to vector<256x2048xf32>
    %select_n3A_165 = arith.select %eq3A_162, %broadcast_in_dim3A_164, %select_n3A_150 : vector<256x2048xi1>, vector<256x2048xf32>
    %argmin3A_166 = tpu.reduce_index %select_n3A_165 {axis = 1 : i32, kind = #tpu.reduction_kind<arg_min>} : vector<256x2048xf32> -> vector<256xi32>
    %broadcast_in_dim3A_167 = vector.shape_cast %argmin3A_166 : vector<256xi32> to vector<256x1xi32>
    %add3A_168 = vector.broadcast %mul3A_51 : i32 to vector<256x1xi32>
    %add3A_169 = arith.addi %broadcast_in_dim3A_167, %add3A_168 : vector<256x1xi32>
    %swap3A_170 = arith.constant 0 : index
    %swap3A_171 = arith.constant 0 : index
    %swap3A_172 = arith.constant 4 : index
    %swap3A_173 = vector.load %arg4[%swap3A_170, %swap3A_171, %swap3A_172] : memref<1x256x48xi32, #tpu.memory_space<vmem>>, vector<1x256x1xi32>
    %swap3A_174 = vector.shape_cast %swap3A_173 : vector<1x256x1xi32> to vector<256x1xi32>
    %swap3A_175 = vector.shape_cast %add3A_169 : vector<256x1xi32> to vector<1x256x1xi32>
    tpu.vector_store %arg4[%swap3A_170, %swap3A_171, %swap3A_172], %swap3A_175 {strides = array<i32>} : memref<1x256x48xi32, #tpu.memory_space<vmem>>, vector<1x256x1xi32>,
    %eq3A_176 = vector.broadcast %broadcast_in_dim3A_167 : vector<256x1xi32> to vector<256x2048xi32>
    %eq3A_177 = arith.cmpi eq, %iota3A, %eq3A_176 : vector<256x2048xi32>
    %jit3A_178 = arith.constant 0x7F800000 : f32
    %broadcast_in_dim3A_179 = vector.broadcast %jit3A_178 : f32 to vector<256x2048xf32>
    %select_n3A_180 = arith.select %eq3A_177, %broadcast_in_dim3A_179, %select_n3A_165 : vector<256x2048xi1>, vector<256x2048xf32>
    %argmin3A_181 = tpu.reduce_index %select_n3A_180 {axis = 1 : i32, kind = #tpu.reduction_kind<arg_min>} : vector<256x2048xf32> -> vector<256xi32>
    %broadcast_in_dim3A_182 = vector.shape_cast %argmin3A_181 : vector<256xi32> to vector<256x1xi32>
    %add3A_183 = vector.broadcast %mul3A_51 : i32 to vector<256x1xi32>
    %add3A_184 = arith.addi %broadcast_in_dim3A_182, %add3A_183 : vector<256x1xi32>
    %swap3A_185 = arith.constant 0 : index
    %swap3A_186 = arith.constant 0 : index
    %swap3A_187 = arith.constant 36 : index
    %swap3A_188 = vector.load %arg4[%swap3A_185, %swap3A_186, %swap3A_187] : memref<1x256x48xi32, #tpu.memory_space<vmem>>, vector<1x256x1xi32>
    %swap3A_189 = vector.shape_cast %swap3A_188 : vector<1x256x1xi32> to vector<256x1xi32>
    %swap3A_190 = vector.shape_cast %add3A_184 : vector<256x1xi32> to vector<1x256x1xi32>
    tpu.vector_store %arg4[%swap3A_185, %swap3A_186, %swap3A_187], %swap3A_190 {strides = array<i32>} : memref<1x256x48xi32, #tpu.memory_space<vmem>>, vector<1x256x1xi32>,
    %eq3A_191 = vector.broadcast %broadcast_in_dim3A_182 : vector<256x1xi32> to vector<256x2048xi32>
    %eq3A_192 = arith.cmpi eq, %iota3A, %eq3A_191 : vector<256x2048xi32>
    %jit3A_193 = arith.constant 0x7F800000 : f32
    %broadcast_in_dim3A_194 = vector.broadcast %jit3A_193 : f32 to vector<256x2048xf32>
    %select_n3A_195 = arith.select %eq3A_192, %broadcast_in_dim3A_194, %select_n3A_180 : vector<256x2048xi1>, vector<256x2048xf32>
    %argmin3A_196 = tpu.reduce_index %select_n3A_195 {axis = 1 : i32, kind = #tpu.reduction_kind<arg_min>} : vector<256x2048xf32> -> vector<256xi32>
    %broadcast_in_dim3A_197 = vector.shape_cast %argmin3A_196 : vector<256xi32> to vector<256x1xi32>
    %add3A_198 = vector.broadcast %mul3A_51 : i32 to vector<256x1xi32>
    %add3A_199 = arith.addi %broadcast_in_dim3A_197, %add3A_198 : vector<256x1xi32>
    %swap3A_200 = arith.constant 0 : index
    %swap3A_201 = arith.constant 0 : index
    %swap3A_202 = arith.constant 5 : index
    %swap3A_203 = vector.load %arg4[%swap3A_200, %swap3A_201, %swap3A_202] : memref<1x256x48xi32, #tpu.memory_space<vmem>>, vector<1x256x1xi32>
    %swap3A_204 = vector.shape_cast %swap3A_203 : vector<1x256x1xi32> to vector<256x1xi32>
    %swap3A_205 = vector.shape_cast %add3A_199 : vector<256x1xi32> to vector<1x256x1xi32>
    tpu.vector_store %arg4[%swap3A_200, %swap3A_201, %swap3A_202], %swap3A_205 {strides = array<i32>} : memref<1x256x48xi32, #tpu.memory_space<vmem>>, vector<1x256x1xi32>,
    %eq3A_206 = vector.broadcast %broadcast_in_dim3A_197 : vector<256x1xi32> to vector<256x2048xi32>
    %eq3A_207 = arith.cmpi eq, %iota3A, %eq3A_206 : vector<256x2048xi32>
    %jit3A_208 = arith.constant 0x7F800000 : f32
    %broadcast_in_dim3A_209 = vector.broadcast %jit3A_208 : f32 to vector<256x2048xf32>
    %select_n3A_210 = arith.select %eq3A_207, %broadcast_in_dim3A_209, %select_n3A_195 : vector<256x2048xi1>, vector<256x2048xf32>
    %argmin3A_211 = tpu.reduce_index %select_n3A_210 {axis = 1 : i32, kind = #tpu.reduction_kind<arg_min>} : vector<256x2048xf32> -> vector<256xi32>
    %broadcast_in_dim3A_212 = vector.shape_cast %argmin3A_211 : vector<256xi32> to vector<256x1xi32>
    %add3A_213 = vector.broadcast %mul3A_51 : i32 to vector<256x1xi32>
    %add3A_214 = arith.addi %broadcast_in_dim3A_212, %add3A_213 : vector<256x1xi32>
    %swap3A_215 = arith.constant 0 : index
    %swap3A_216 = arith.constant 0 : index
    %swap3A_217 = arith.constant 37 : index
    %swap3A_218 = vector.load %arg4[%swap3A_215, %swap3A_216, %swap3A_217] : memref<1x256x48xi32, #tpu.memory_space<vmem>>, vector<1x256x1xi32>
    %swap3A_219 = vector.shape_cast %swap3A_218 : vector<1x256x1xi32> to vector<256x1xi32>
    %swap3A_220 = vector.shape_cast %add3A_214 : vector<256x1xi32> to vector<1x256x1xi32>
    tpu.vector_store %arg4[%swap3A_215, %swap3A_216, %swap3A_217], %swap3A_220 {strides = array<i32>} : memref<1x256x48xi32, #tpu.memory_space<vmem>>, vector<1x256x1xi32>,
    %eq3A_221 = vector.broadcast %broadcast_in_dim3A_212 : vector<256x1xi32> to vector<256x2048xi32>
    %eq3A_222 = arith.cmpi eq, %iota3A, %eq3A_221 : vector<256x2048xi32>
    %jit3A_223 = arith.constant 0x7F800000 : f32
    %broadcast_in_dim3A_224 = vector.broadcast %jit3A_223 : f32 to vector<256x2048xf32>
    %select_n3A_225 = arith.select %eq3A_222, %broadcast_in_dim3A_224, %select_n3A_210 : vector<256x2048xi1>, vector<256x2048xf32>
    %argmin3A_226 = tpu.reduce_index %select_n3A_225 {axis = 1 : i32, kind = #tpu.reduction_kind<arg_min>} : vector<256x2048xf32> -> vector<256xi32>
    %broadcast_in_dim3A_227 = vector.shape_cast %argmin3A_226 : vector<256xi32> to vector<256x1xi32>
    %add3A_228 = vector.broadcast %mul3A_51 : i32 to vector<256x1xi32>
    %add3A_229 = arith.addi %broadcast_in_dim3A_227, %add3A_228 : vector<256x1xi32>
    %swap3A_230 = arith.constant 0 : index
    %swap3A_231 = arith.constant 0 : index
    %swap3A_232 = arith.constant 6 : index
    %swap3A_233 = vector.load %arg4[%swap3A_230, %swap3A_231, %swap3A_232] : memref<1x256x48xi32, #tpu.memory_space<vmem>>, vector<1x256x1xi32>
    %swap3A_234 = vector.shape_cast %swap3A_233 : vector<1x256x1xi32> to vector<256x1xi32>
    %swap3A_235 = vector.shape_cast %add3A_229 : vector<256x1xi32> to vector<1x256x1xi32>
    tpu.vector_store %arg4[%swap3A_230, %swap3A_231, %swap3A_232], %swap3A_235 {strides = array<i32>} : memref<1x256x48xi32, #tpu.memory_space<vmem>>, vector<1x256x1xi32>,
    %eq3A_236 = vector.broadcast %broadcast_in_dim3A_227 : vector<256x1xi32> to vector<256x2048xi32>
    %eq3A_237 = arith.cmpi eq, %iota3A, %eq3A_236 : vector<256x2048xi32>
    %jit3A_238 = arith.constant 0x7F800000 : f32
    %broadcast_in_dim3A_239 = vector.broadcast %jit3A_238 : f32 to vector<256x2048xf32>
    %select_n3A_240 = arith.select %eq3A_237, %broadcast_in_dim3A_239, %select_n3A_225 : vector<256x2048xi1>, vector<256x2048xf32>
    %argmin3A_241 = tpu.reduce_index %select_n3A_240 {axis = 1 : i32, kind = #tpu.reduction_kind<arg_min>} : vector<256x2048xf32> -> vector<256xi32>
    %broadcast_in_dim3A_242 = vector.shape_cast %argmin3A_241 : vector<256xi32> to vector<256x1xi32>
    %add3A_243 = vector.broadcast %mul3A_51 : i32 to vector<256x1xi32>
    %add3A_244 = arith.addi %broadcast_in_dim3A_242, %add3A_243 : vector<256x1xi32>
    %swap3A_245 = arith.constant 0 : index
    %swap3A_246 = arith.constant 0 : index
    %swap3A_247 = arith.constant 38 : index
    %swap3A_248 = vector.load %arg4[%swap3A_245, %swap3A_246, %swap3A_247] : memref<1x256x48xi32, #tpu.memory_space<vmem>>, vector<1x256x1xi32>
    %swap3A_249 = vector.shape_cast %swap3A_248 : vector<1x256x1xi32> to vector<256x1xi32>
    %swap3A_250 = vector.shape_cast %add3A_244 : vector<256x1xi32> to vector<1x256x1xi32>
    tpu.vector_store %arg4[%swap3A_245, %swap3A_246, %swap3A_247], %swap3A_250 {strides = array<i32>} : memref<1x256x48xi32, #tpu.memory_space<vmem>>, vector<1x256x1xi32>,
    %eq3A_251 = vector.broadcast %broadcast_in_dim3A_242 : vector<256x1xi32> to vector<256x2048xi32>
    %eq3A_252 = arith.cmpi eq, %iota3A, %eq3A_251 : vector<256x2048xi32>
    %jit3A_253 = arith.constant 0x7F800000 : f32
    %broadcast_in_dim3A_254 = vector.broadcast %jit3A_253 : f32 to vector<256x2048xf32>
    %select_n3A_255 = arith.select %eq3A_252, %broadcast_in_dim3A_254, %select_n3A_240 : vector<256x2048xi1>, vector<256x2048xf32>
    %argmin3A_256 = tpu.reduce_index %select_n3A_255 {axis = 1 : i32, kind = #tpu.reduction_kind<arg_min>} : vector<256x2048xf32> -> vector<256xi32>
    %broadcast_in_dim3A_257 = vector.shape_cast %argmin3A_256 : vector<256xi32> to vector<256x1xi32>
    %add3A_258 = vector.broadcast %mul3A_51 : i32 to vector<256x1xi32>
    %add3A_259 = arith.addi %broadcast_in_dim3A_257, %add3A_258 : vector<256x1xi32>
    %swap3A_260 = arith.constant 0 : index
    %swap3A_261 = arith.constant 0 : index
    %swap3A_262 = arith.constant 7 : index
    %swap3A_263 = vector.load %arg4[%swap3A_260, %swap3A_261, %swap3A_262] : memref<1x256x48xi32, #tpu.memory_space<vmem>>, vector<1x256x1xi32>
    %swap3A_264 = vector.shape_cast %swap3A_263 : vector<1x256x1xi32> to vector<256x1xi32>
    %swap3A_265 = vector.shape_cast %add3A_259 : vector<256x1xi32> to vector<1x256x1xi32>
    tpu.vector_store %arg4[%swap3A_260, %swap3A_261, %swap3A_262], %swap3A_265 {strides = array<i32>} : memref<1x256x48xi32, #tpu.memory_space<vmem>>, vector<1x256x1xi32>,
    %eq3A_266 = vector.broadcast %broadcast_in_dim3A_257 : vector<256x1xi32> to vector<256x2048xi32>
    %eq3A_267 = arith.cmpi eq, %iota3A, %eq3A_266 : vector<256x2048xi32>
    %jit3A_268 = arith.constant 0x7F800000 : f32
    %broadcast_in_dim3A_269 = vector.broadcast %jit3A_268 : f32 to vector<256x2048xf32>
    %select_n3A_270 = arith.select %eq3A_267, %broadcast_in_dim3A_269, %select_n3A_255 : vector<256x2048xi1>, vector<256x2048xf32>
    %argmin3A_271 = tpu.reduce_index %select_n3A_270 {axis = 1 : i32, kind = #tpu.reduction_kind<arg_min>} : vector<256x2048xf32> -> vector<256xi32>
    %broadcast_in_dim3A_272 = vector.shape_cast %argmin3A_271 : vector<256xi32> to vector<256x1xi32>
    %add3A_273 = vector.broadcast %mul3A_51 : i32 to vector<256x1xi32>
    %add3A_274 = arith.addi %broadcast_in_dim3A_272, %add3A_273 : vector<256x1xi32>
    %swap3A_275 = arith.constant 0 : index
    %swap3A_276 = arith.constant 0 : index
    %swap3A_277 = arith.constant 39 : index
    %swap3A_278 = vector.load %arg4[%swap3A_275, %swap3A_276, %swap3A_277] : memref<1x256x48xi32, #tpu.memory_space<vmem>>, vector<1x256x1xi32>
    %swap3A_279 = vector.shape_cast %swap3A_278 : vector<1x256x1xi32> to vector<256x1xi32>
    %swap3A_280 = vector.shape_cast %add3A_274 : vector<256x1xi32> to vector<1x256x1xi32>
    tpu.vector_store %arg4[%swap3A_275, %swap3A_276, %swap3A_277], %swap3A_280 {strides = array<i32>} : memref<1x256x48xi32, #tpu.memory_space<vmem>>, vector<1x256x1xi32>,
    %eq3A_281 = vector.broadcast %broadcast_in_dim3A_272 : vector<256x1xi32> to vector<256x2048xi32>
    %eq3A_282 = arith.cmpi eq, %iota3A, %eq3A_281 : vector<256x2048xi32>
    %jit3A_283 = arith.constant 0x7F800000 : f32
    %broadcast_in_dim3A_284 = vector.broadcast %jit3A_283 : f32 to vector<256x2048xf32>
    %select_n3A_285 = arith.select %eq3A_282, %broadcast_in_dim3A_284, %select_n3A_270 : vector<256x2048xi1>, vector<256x2048xf32>
    %argmin3A_286 = tpu.reduce_index %select_n3A_285 {axis = 1 : i32, kind = #tpu.reduction_kind<arg_min>} : vector<256x2048xf32> -> vector<256xi32>
    %broadcast_in_dim3A_287 = vector.shape_cast %argmin3A_286 : vector<256xi32> to vector<256x1xi32>
    %add3A_288 = vector.broadcast %mul3A_51 : i32 to vector<256x1xi32>
    %add3A_289 = arith.addi %broadcast_in_dim3A_287, %add3A_288 : vector<256x1xi32>
    %swap3A_290 = arith.constant 0 : index
    %swap3A_291 = arith.constant 0 : index
    %swap3A_292 = arith.constant 8 : index
    %swap3A_293 = vector.load %arg4[%swap3A_290, %swap3A_291, %swap3A_292] : memref<1x256x48xi32, #tpu.memory_space<vmem>>, vector<1x256x1xi32>
    %swap3A_294 = vector.shape_cast %swap3A_293 : vector<1x256x1xi32> to vector<256x1xi32>
    %swap3A_295 = vector.shape_cast %add3A_289 : vector<256x1xi32> to vector<1x256x1xi32>
    tpu.vector_store %arg4[%swap3A_290, %swap3A_291, %swap3A_292], %swap3A_295 {strides = array<i32>} : memref<1x256x48xi32, #tpu.memory_space<vmem>>, vector<1x256x1xi32>,
    %eq3A_296 = vector.broadcast %broadcast_in_dim3A_287 : vector<256x1xi32> to vector<256x2048xi32>
    %eq3A_297 = arith.cmpi eq, %iota3A, %eq3A_296 : vector<256x2048xi32>
    %jit3A_298 = arith.constant 0x7F800000 : f32
    %broadcast_in_dim3A_299 = vector.broadcast %jit3A_298 : f32 to vector<256x2048xf32>
    %select_n3A_300 = arith.select %eq3A_297, %broadcast_in_dim3A_299, %select_n3A_285 : vector<256x2048xi1>, vector<256x2048xf32>
    %argmin3A_301 = tpu.reduce_index %select_n3A_300 {axis = 1 : i32, kind = #tpu.reduction_kind<arg_min>} : vector<256x2048xf32> -> vector<256xi32>
    %broadcast_in_dim3A_302 = vector.shape_cast %argmin3A_301 : vector<256xi32> to vector<256x1xi32>
    %add3A_303 = vector.broadcast %mul3A_51 : i32 to vector<256x1xi32>
    %add3A_304 = arith.addi %broadcast_in_dim3A_302, %add3A_303 : vector<256x1xi32>
    %swap3A_305 = arith.constant 0 : index
    %swap3A_306 = arith.constant 0 : index
    %swap3A_307 = arith.constant 40 : index
    %swap3A_308 = vector.load %arg4[%swap3A_305, %swap3A_306, %swap3A_307] : memref<1x256x48xi32, #tpu.memory_space<vmem>>, vector<1x256x1xi32>
    %swap3A_309 = vector.shape_cast %swap3A_308 : vector<1x256x1xi32> to vector<256x1xi32>
    %swap3A_310 = vector.shape_cast %add3A_304 : vector<256x1xi32> to vector<1x256x1xi32>
    tpu.vector_store %arg4[%swap3A_305, %swap3A_306, %swap3A_307], %swap3A_310 {strides = array<i32>} : memref<1x256x48xi32, #tpu.memory_space<vmem>>, vector<1x256x1xi32>,
    %eq3A_311 = vector.broadcast %broadcast_in_dim3A_302 : vector<256x1xi32> to vector<256x2048xi32>
    %eq3A_312 = arith.cmpi eq, %iota3A, %eq3A_311 : vector<256x2048xi32>
    %jit3A_313 = arith.constant 0x7F800000 : f32
    %broadcast_in_dim3A_314 = vector.broadcast %jit3A_313 : f32 to vector<256x2048xf32>
    %select_n3A_315 = arith.select %eq3A_312, %broadcast_in_dim3A_314, %select_n3A_300 : vector<256x2048xi1>, vector<256x2048xf32>
    %argmin3A_316 = tpu.reduce_index %select_n3A_315 {axis = 1 : i32, kind = #tpu.reduction_kind<arg_min>} : vector<256x2048xf32> -> vector<256xi32>
    %broadcast_in_dim3A_317 = vector.shape_cast %argmin3A_316 : vector<256xi32> to vector<256x1xi32>
    %add3A_318 = vector.broadcast %mul3A_51 : i32 to vector<256x1xi32>
    %add3A_319 = arith.addi %broadcast_in_dim3A_317, %add3A_318 : vector<256x1xi32>
    %swap3A_320 = arith.constant 0 : index
    %swap3A_321 = arith.constant 0 : index
    %swap3A_322 = arith.constant 9 : index
    %swap3A_323 = vector.load %arg4[%swap3A_320, %swap3A_321, %swap3A_322] : memref<1x256x48xi32, #tpu.memory_space<vmem>>, vector<1x256x1xi32>
    %swap3A_324 = vector.shape_cast %swap3A_323 : vector<1x256x1xi32> to vector<256x1xi32>
    %swap3A_325 = vector.shape_cast %add3A_319 : vector<256x1xi32> to vector<1x256x1xi32>
    tpu.vector_store %arg4[%swap3A_320, %swap3A_321, %swap3A_322], %swap3A_325 {strides = array<i32>} : memref<1x256x48xi32, #tpu.memory_space<vmem>>, vector<1x256x1xi32>,
    %eq3A_326 = vector.broadcast %broadcast_in_dim3A_317 : vector<256x1xi32> to vector<256x2048xi32>
    %eq3A_327 = arith.cmpi eq, %iota3A, %eq3A_326 : vector<256x2048xi32>
    %jit3A_328 = arith.constant 0x7F800000 : f32
    %broadcast_in_dim3A_329 = vector.broadcast %jit3A_328 : f32 to vector<256x2048xf32>
    %select_n3A_330 = arith.select %eq3A_327, %broadcast_in_dim3A_329, %select_n3A_315 : vector<256x2048xi1>, vector<256x2048xf32>
    %argmin3A_331 = tpu.reduce_index %select_n3A_330 {axis = 1 : i32, kind = #tpu.reduction_kind<arg_min>} : vector<256x2048xf32> -> vector<256xi32>
    %broadcast_in_dim3A_332 = vector.shape_cast %argmin3A_331 : vector<256xi32> to vector<256x1xi32>
    %add3A_333 = vector.broadcast %mul3A_51 : i32 to vector<256x1xi32>
    %add3A_334 = arith.addi %broadcast_in_dim3A_332, %add3A_333 : vector<256x1xi32>
    %swap3A_335 = arith.constant 0 : index
    %swap3A_336 = arith.constant 0 : index
    %swap3A_337 = arith.constant 41 : index
    %swap3A_338 = vector.load %arg4[%swap3A_335, %swap3A_336, %swap3A_337] : memref<1x256x48xi32, #tpu.memory_space<vmem>>, vector<1x256x1xi32>
    %swap3A_339 = vector.shape_cast %swap3A_338 : vector<1x256x1xi32> to vector<256x1xi32>
    %swap3A_340 = vector.shape_cast %add3A_334 : vector<256x1xi32> to vector<1x256x1xi32>
    tpu.vector_store %arg4[%swap3A_335, %swap3A_336, %swap3A_337], %swap3A_340 {strides = array<i32>} : memref<1x256x48xi32, #tpu.memory_space<vmem>>, vector<1x256x1xi32>,
    %eq3A_341 = vector.broadcast %broadcast_in_dim3A_332 : vector<256x1xi32> to vector<256x2048xi32>
    %eq3A_342 = arith.cmpi eq, %iota3A, %eq3A_341 : vector<256x2048xi32>
    %jit3A_343 = arith.constant 0x7F800000 : f32
    %broadcast_in_dim3A_344 = vector.broadcast %jit3A_343 : f32 to vector<256x2048xf32>
    %select_n3A_345 = arith.select %eq3A_342, %broadcast_in_dim3A_344, %select_n3A_330 : vector<256x2048xi1>, vector<256x2048xf32>
    %argmin3A_346 = tpu.reduce_index %select_n3A_345 {axis = 1 : i32, kind = #tpu.reduction_kind<arg_min>} : vector<256x2048xf32> -> vector<256xi32>
    %broadcast_in_dim3A_347 = vector.shape_cast %argmin3A_346 : vector<256xi32> to vector<256x1xi32>
    %add3A_348 = vector.broadcast %mul3A_51 : i32 to vector<256x1xi32>
    %add3A_349 = arith.addi %broadcast_in_dim3A_347, %add3A_348 : vector<256x1xi32>
    %swap3A_350 = arith.constant 0 : index
    %swap3A_351 = arith.constant 0 : index
    %swap3A_352 = arith.constant 10 : index
    %swap3A_353 = vector.load %arg4[%swap3A_350, %swap3A_351, %swap3A_352] : memref<1x256x48xi32, #tpu.memory_space<vmem>>, vector<1x256x1xi32>
    %swap3A_354 = vector.shape_cast %swap3A_353 : vector<1x256x1xi32> to vector<256x1xi32>
    %swap3A_355 = vector.shape_cast %add3A_349 : vector<256x1xi32> to vector<1x256x1xi32>
    tpu.vector_store %arg4[%swap3A_350, %swap3A_351, %swap3A_352], %swap3A_355 {strides = array<i32>} : memref<1x256x48xi32, #tpu.memory_space<vmem>>, vector<1x256x1xi32>,
    %eq3A_356 = vector.broadcast %broadcast_in_dim3A_347 : vector<256x1xi32> to vector<256x2048xi32>
    %eq3A_357 = arith.cmpi eq, %iota3A, %eq3A_356 : vector<256x2048xi32>
    %jit3A_358 = arith.constant 0x7F800000 : f32
    %broadcast_in_dim3A_359 = vector.broadcast %jit3A_358 : f32 to vector<256x2048xf32>
    %select_n3A_360 = arith.select %eq3A_357, %broadcast_in_dim3A_359, %select_n3A_345 : vector<256x2048xi1>, vector<256x2048xf32>
    %argmin3A_361 = tpu.reduce_index %select_n3A_360 {axis = 1 : i32, kind = #tpu.reduction_kind<arg_min>} : vector<256x2048xf32> -> vector<256xi32>
    %broadcast_in_dim3A_362 = vector.shape_cast %argmin3A_361 : vector<256xi32> to vector<256x1xi32>
    %add3A_363 = vector.broadcast %mul3A_51 : i32 to vector<256x1xi32>
    %add3A_364 = arith.addi %broadcast_in_dim3A_362, %add3A_363 : vector<256x1xi32>
    %swap3A_365 = arith.constant 0 : index
    %swap3A_366 = arith.constant 0 : index
    %swap3A_367 = arith.constant 42 : index
    %swap3A_368 = vector.load %arg4[%swap3A_365, %swap3A_366, %swap3A_367] : memref<1x256x48xi32, #tpu.memory_space<vmem>>, vector<1x256x1xi32>
    %swap3A_369 = vector.shape_cast %swap3A_368 : vector<1x256x1xi32> to vector<256x1xi32>
    %swap3A_370 = vector.shape_cast %add3A_364 : vector<256x1xi32> to vector<1x256x1xi32>
    tpu.vector_store %arg4[%swap3A_365, %swap3A_366, %swap3A_367], %swap3A_370 {strides = array<i32>} : memref<1x256x48xi32, #tpu.memory_space<vmem>>, vector<1x256x1xi32>,
    %eq3A_371 = vector.broadcast %broadcast_in_dim3A_362 : vector<256x1xi32> to vector<256x2048xi32>
    %eq3A_372 = arith.cmpi eq, %iota3A, %eq3A_371 : vector<256x2048xi32>
    %jit3A_373 = arith.constant 0x7F800000 : f32
    %broadcast_in_dim3A_374 = vector.broadcast %jit3A_373 : f32 to vector<256x2048xf32>
    %select_n3A_375 = arith.select %eq3A_372, %broadcast_in_dim3A_374, %select_n3A_360 : vector<256x2048xi1>, vector<256x2048xf32>
    %argmin3A_376 = tpu.reduce_index %select_n3A_375 {axis = 1 : i32, kind = #tpu.reduction_kind<arg_min>} : vector<256x2048xf32> -> vector<256xi32>
    %broadcast_in_dim3A_377 = vector.shape_cast %argmin3A_376 : vector<256xi32> to vector<256x1xi32>
    %add3A_378 = vector.broadcast %mul3A_51 : i32 to vector<256x1xi32>
    %add3A_379 = arith.addi %broadcast_in_dim3A_377, %add3A_378 : vector<256x1xi32>
    %swap3A_380 = arith.constant 0 : index
    %swap3A_381 = arith.constant 0 : index
    %swap3A_382 = arith.constant 11 : index
    %swap3A_383 = vector.load %arg4[%swap3A_380, %swap3A_381, %swap3A_382] : memref<1x256x48xi32, #tpu.memory_space<vmem>>, vector<1x256x1xi32>
    %swap3A_384 = vector.shape_cast %swap3A_383 : vector<1x256x1xi32> to vector<256x1xi32>
    %swap3A_385 = vector.shape_cast %add3A_379 : vector<256x1xi32> to vector<1x256x1xi32>
    tpu.vector_store %arg4[%swap3A_380, %swap3A_381, %swap3A_382], %swap3A_385 {strides = array<i32>} : memref<1x256x48xi32, #tpu.memory_space<vmem>>, vector<1x256x1xi32>,
    %eq3A_386 = vector.broadcast %broadcast_in_dim3A_377 : vector<256x1xi32> to vector<256x2048xi32>
    %eq3A_387 = arith.cmpi eq, %iota3A, %eq3A_386 : vector<256x2048xi32>
    %jit3A_388 = arith.constant 0x7F800000 : f32
    %broadcast_in_dim3A_389 = vector.broadcast %jit3A_388 : f32 to vector<256x2048xf32>
    %select_n3A_390 = arith.select %eq3A_387, %broadcast_in_dim3A_389, %select_n3A_375 : vector<256x2048xi1>, vector<256x2048xf32>
    %argmin3A_391 = tpu.reduce_index %select_n3A_390 {axis = 1 : i32, kind = #tpu.reduction_kind<arg_min>} : vector<256x2048xf32> -> vector<256xi32>
    %broadcast_in_dim3A_392 = vector.shape_cast %argmin3A_391 : vector<256xi32> to vector<256x1xi32>
    %add3A_393 = vector.broadcast %mul3A_51 : i32 to vector<256x1xi32>
    %add3A_394 = arith.addi %broadcast_in_dim3A_392, %add3A_393 : vector<256x1xi32>
    %swap3A_395 = arith.constant 0 : index
    %swap3A_396 = arith.constant 0 : index
    %swap3A_397 = arith.constant 43 : index
    %swap3A_398 = vector.load %arg4[%swap3A_395, %swap3A_396, %swap3A_397] : memref<1x256x48xi32, #tpu.memory_space<vmem>>, vector<1x256x1xi32>
    %swap3A_399 = vector.shape_cast %swap3A_398 : vector<1x256x1xi32> to vector<256x1xi32>
    %swap3A_400 = vector.shape_cast %add3A_394 : vector<256x1xi32> to vector<1x256x1xi32>
    tpu.vector_store %arg4[%swap3A_395, %swap3A_396, %swap3A_397], %swap3A_400 {strides = array<i32>} : memref<1x256x48xi32, #tpu.memory_space<vmem>>, vector<1x256x1xi32>,
    %eq3A_401 = vector.broadcast %broadcast_in_dim3A_392 : vector<256x1xi32> to vector<256x2048xi32>
    %eq3A_402 = arith.cmpi eq, %iota3A, %eq3A_401 : vector<256x2048xi32>
    %jit3A_403 = arith.constant 0x7F800000 : f32
    %broadcast_in_dim3A_404 = vector.broadcast %jit3A_403 : f32 to vector<256x2048xf32>
    %select_n3A_405 = arith.select %eq3A_402, %broadcast_in_dim3A_404, %select_n3A_390 : vector<256x2048xi1>, vector<256x2048xf32>
    %argmin3A_406 = tpu.reduce_index %select_n3A_405 {axis = 1 : i32, kind = #tpu.reduction_kind<arg_min>} : vector<256x2048xf32> -> vector<256xi32>
    %broadcast_in_dim3A_407 = vector.shape_cast %argmin3A_406 : vector<256xi32> to vector<256x1xi32>
    %add3A_408 = vector.broadcast %mul3A_51 : i32 to vector<256x1xi32>
    %add3A_409 = arith.addi %broadcast_in_dim3A_407, %add3A_408 : vector<256x1xi32>
    %swap3A_410 = arith.constant 0 : index
    %swap3A_411 = arith.constant 0 : index
    %swap3A_412 = arith.constant 12 : index
    %swap3A_413 = vector.load %arg4[%swap3A_410, %swap3A_411, %swap3A_412] : memref<1x256x48xi32, #tpu.memory_space<vmem>>, vector<1x256x1xi32>
    %swap3A_414 = vector.shape_cast %swap3A_413 : vector<1x256x1xi32> to vector<256x1xi32>
    %swap3A_415 = vector.shape_cast %add3A_409 : vector<256x1xi32> to vector<1x256x1xi32>
    tpu.vector_store %arg4[%swap3A_410, %swap3A_411, %swap3A_412], %swap3A_415 {strides = array<i32>} : memref<1x256x48xi32, #tpu.memory_space<vmem>>, vector<1x256x1xi32>,
    %eq3A_416 = vector.broadcast %broadcast_in_dim3A_407 : vector<256x1xi32> to vector<256x2048xi32>
    %eq3A_417 = arith.cmpi eq, %iota3A, %eq3A_416 : vector<256x2048xi32>
    %jit3A_418 = arith.constant 0x7F800000 : f32
    %broadcast_in_dim3A_419 = vector.broadcast %jit3A_418 : f32 to vector<256x2048xf32>
    %select_n3A_420 = arith.select %eq3A_417, %broadcast_in_dim3A_419, %select_n3A_405 : vector<256x2048xi1>, vector<256x2048xf32>
    %argmin3A_421 = tpu.reduce_index %select_n3A_420 {axis = 1 : i32, kind = #tpu.reduction_kind<arg_min>} : vector<256x2048xf32> -> vector<256xi32>
    %broadcast_in_dim3A_422 = vector.shape_cast %argmin3A_421 : vector<256xi32> to vector<256x1xi32>
    %add3A_423 = vector.broadcast %mul3A_51 : i32 to vector<256x1xi32>
    %add3A_424 = arith.addi %broadcast_in_dim3A_422, %add3A_423 : vector<256x1xi32>
    %swap3A_425 = arith.constant 0 : index
    %swap3A_426 = arith.constant 0 : index
    %swap3A_427 = arith.constant 44 : index
    %swap3A_428 = vector.load %arg4[%swap3A_425, %swap3A_426, %swap3A_427] : memref<1x256x48xi32, #tpu.memory_space<vmem>>, vector<1x256x1xi32>
    %swap3A_429 = vector.shape_cast %swap3A_428 : vector<1x256x1xi32> to vector<256x1xi32>
    %swap3A_430 = vector.shape_cast %add3A_424 : vector<256x1xi32> to vector<1x256x1xi32>
    tpu.vector_store %arg4[%swap3A_425, %swap3A_426, %swap3A_427], %swap3A_430 {strides = array<i32>} : memref<1x256x48xi32, #tpu.memory_space<vmem>>, vector<1x256x1xi32>,
    %eq3A_431 = vector.broadcast %broadcast_in_dim3A_422 : vector<256x1xi32> to vector<256x2048xi32>
    %eq3A_432 = arith.cmpi eq, %iota3A, %eq3A_431 : vector<256x2048xi32>
    %jit3A_433 = arith.constant 0x7F800000 : f32
    %broadcast_in_dim3A_434 = vector.broadcast %jit3A_433 : f32 to vector<256x2048xf32>
    %select_n3A_435 = arith.select %eq3A_432, %broadcast_in_dim3A_434, %select_n3A_420 : vector<256x2048xi1>, vector<256x2048xf32>
    %argmin3A_436 = tpu.reduce_index %select_n3A_435 {axis = 1 : i32, kind = #tpu.reduction_kind<arg_min>} : vector<256x2048xf32> -> vector<256xi32>
    %broadcast_in_dim3A_437 = vector.shape_cast %argmin3A_436 : vector<256xi32> to vector<256x1xi32>
    %add3A_438 = vector.broadcast %mul3A_51 : i32 to vector<256x1xi32>
    %add3A_439 = arith.addi %broadcast_in_dim3A_437, %add3A_438 : vector<256x1xi32>
    %swap3A_440 = arith.constant 0 : index
    %swap3A_441 = arith.constant 0 : index
    %swap3A_442 = arith.constant 13 : index
    %swap3A_443 = vector.load %arg4[%swap3A_440, %swap3A_441, %swap3A_442] : memref<1x256x48xi32, #tpu.memory_space<vmem>>, vector<1x256x1xi32>
    %swap3A_444 = vector.shape_cast %swap3A_443 : vector<1x256x1xi32> to vector<256x1xi32>
    %swap3A_445 = vector.shape_cast %add3A_439 : vector<256x1xi32> to vector<1x256x1xi32>
    tpu.vector_store %arg4[%swap3A_440, %swap3A_441, %swap3A_442], %swap3A_445 {strides = array<i32>} : memref<1x256x48xi32, #tpu.memory_space<vmem>>, vector<1x256x1xi32>,
    %eq3A_446 = vector.broadcast %broadcast_in_dim3A_437 : vector<256x1xi32> to vector<256x2048xi32>
    %eq3A_447 = arith.cmpi eq, %iota3A, %eq3A_446 : vector<256x2048xi32>
    %jit3A_448 = arith.constant 0x7F800000 : f32
    %broadcast_in_dim3A_449 = vector.broadcast %jit3A_448 : f32 to vector<256x2048xf32>
    %select_n3A_450 = arith.select %eq3A_447, %broadcast_in_dim3A_449, %select_n3A_435 : vector<256x2048xi1>, vector<256x2048xf32>
    %argmin3A_451 = tpu.reduce_index %select_n3A_450 {axis = 1 : i32, kind = #tpu.reduction_kind<arg_min>} : vector<256x2048xf32> -> vector<256xi32>
    %broadcast_in_dim3A_452 = vector.shape_cast %argmin3A_451 : vector<256xi32> to vector<256x1xi32>
    %add3A_453 = vector.broadcast %mul3A_51 : i32 to vector<256x1xi32>
    %add3A_454 = arith.addi %broadcast_in_dim3A_452, %add3A_453 : vector<256x1xi32>
    %swap3A_455 = arith.constant 0 : index
    %swap3A_456 = arith.constant 0 : index
    %swap3A_457 = arith.constant 45 : index
    %swap3A_458 = vector.load %arg4[%swap3A_455, %swap3A_456, %swap3A_457] : memref<1x256x48xi32, #tpu.memory_space<vmem>>, vector<1x256x1xi32>
    %swap3A_459 = vector.shape_cast %swap3A_458 : vector<1x256x1xi32> to vector<256x1xi32>
    %swap3A_460 = vector.shape_cast %add3A_454 : vector<256x1xi32> to vector<1x256x1xi32>
    tpu.vector_store %arg4[%swap3A_455, %swap3A_456, %swap3A_457], %swap3A_460 {strides = array<i32>} : memref<1x256x48xi32, #tpu.memory_space<vmem>>, vector<1x256x1xi32>,
    %eq3A_461 = vector.broadcast %broadcast_in_dim3A_452 : vector<256x1xi32> to vector<256x2048xi32>
    %eq3A_462 = arith.cmpi eq, %iota3A, %eq3A_461 : vector<256x2048xi32>
    %jit3A_463 = arith.constant 0x7F800000 : f32
    %broadcast_in_dim3A_464 = vector.broadcast %jit3A_463 : f32 to vector<256x2048xf32>
    %select_n3A_465 = arith.select %eq3A_462, %broadcast_in_dim3A_464, %select_n3A_450 : vector<256x2048xi1>, vector<256x2048xf32>
    %argmin3A_466 = tpu.reduce_index %select_n3A_465 {axis = 1 : i32, kind = #tpu.reduction_kind<arg_min>} : vector<256x2048xf32> -> vector<256xi32>
    %broadcast_in_dim3A_467 = vector.shape_cast %argmin3A_466 : vector<256xi32> to vector<256x1xi32>
    %add3A_468 = vector.broadcast %mul3A_51 : i32 to vector<256x1xi32>
    %add3A_469 = arith.addi %broadcast_in_dim3A_467, %add3A_468 : vector<256x1xi32>
    %swap3A_470 = arith.constant 0 : index
    %swap3A_471 = arith.constant 0 : index
    %swap3A_472 = arith.constant 14 : index
    %swap3A_473 = vector.load %arg4[%swap3A_470, %swap3A_471, %swap3A_472] : memref<1x256x48xi32, #tpu.memory_space<vmem>>, vector<1x256x1xi32>
    %swap3A_474 = vector.shape_cast %swap3A_473 : vector<1x256x1xi32> to vector<256x1xi32>
    %swap3A_475 = vector.shape_cast %add3A_469 : vector<256x1xi32> to vector<1x256x1xi32>
    tpu.vector_store %arg4[%swap3A_470, %swap3A_471, %swap3A_472], %swap3A_475 {strides = array<i32>} : memref<1x256x48xi32, #tpu.memory_space<vmem>>, vector<1x256x1xi32>,
    %eq3A_476 = vector.broadcast %broadcast_in_dim3A_467 : vector<256x1xi32> to vector<256x2048xi32>
    %eq3A_477 = arith.cmpi eq, %iota3A, %eq3A_476 : vector<256x2048xi32>
    %jit3A_478 = arith.constant 0x7F800000 : f32
    %broadcast_in_dim3A_479 = vector.broadcast %jit3A_478 : f32 to vector<256x2048xf32>
    %select_n3A_480 = arith.select %eq3A_477, %broadcast_in_dim3A_479, %select_n3A_465 : vector<256x2048xi1>, vector<256x2048xf32>
    %argmin3A_481 = tpu.reduce_index %select_n3A_480 {axis = 1 : i32, kind = #tpu.reduction_kind<arg_min>} : vector<256x2048xf32> -> vector<256xi32>
    %broadcast_in_dim3A_482 = vector.shape_cast %argmin3A_481 : vector<256xi32> to vector<256x1xi32>
    %add3A_483 = vector.broadcast %mul3A_51 : i32 to vector<256x1xi32>
    %add3A_484 = arith.addi %broadcast_in_dim3A_482, %add3A_483 : vector<256x1xi32>
    %swap3A_485 = arith.constant 0 : index
    %swap3A_486 = arith.constant 0 : index
    %swap3A_487 = arith.constant 46 : index
    %swap3A_488 = vector.load %arg4[%swap3A_485, %swap3A_486, %swap3A_487] : memref<1x256x48xi32, #tpu.memory_space<vmem>>, vector<1x256x1xi32>
    %swap3A_489 = vector.shape_cast %swap3A_488 : vector<1x256x1xi32> to vector<256x1xi32>
    %swap3A_490 = vector.shape_cast %add3A_484 : vector<256x1xi32> to vector<1x256x1xi32>
    tpu.vector_store %arg4[%swap3A_485, %swap3A_486, %swap3A_487], %swap3A_490 {strides = array<i32>} : memref<1x256x48xi32, #tpu.memory_space<vmem>>, vector<1x256x1xi32>,
    %eq3A_491 = vector.broadcast %broadcast_in_dim3A_482 : vector<256x1xi32> to vector<256x2048xi32>
    %eq3A_492 = arith.cmpi eq, %iota3A, %eq3A_491 : vector<256x2048xi32>
    %jit3A_493 = arith.constant 0x7F800000 : f32
    %broadcast_in_dim3A_494 = vector.broadcast %jit3A_493 : f32 to vector<256x2048xf32>
    %select_n3A_495 = arith.select %eq3A_492, %broadcast_in_dim3A_494, %select_n3A_480 : vector<256x2048xi1>, vector<256x2048xf32>
    %argmin3A_496 = tpu.reduce_index %select_n3A_495 {axis = 1 : i32, kind = #tpu.reduction_kind<arg_min>} : vector<256x2048xf32> -> vector<256xi32>
    %broadcast_in_dim3A_497 = vector.shape_cast %argmin3A_496 : vector<256xi32> to vector<256x1xi32>
    %add3A_498 = vector.broadcast %mul3A_51 : i32 to vector<256x1xi32>
    %add3A_499 = arith.addi %broadcast_in_dim3A_497, %add3A_498 : vector<256x1xi32>
    %swap3A_500 = arith.constant 0 : index
    %swap3A_501 = arith.constant 0 : index
    %swap3A_502 = arith.constant 15 : index
    %swap3A_503 = vector.load %arg4[%swap3A_500, %swap3A_501, %swap3A_502] : memref<1x256x48xi32, #tpu.memory_space<vmem>>, vector<1x256x1xi32>
    %swap3A_504 = vector.shape_cast %swap3A_503 : vector<1x256x1xi32> to vector<256x1xi32>
    %swap3A_505 = vector.shape_cast %add3A_499 : vector<256x1xi32> to vector<1x256x1xi32>
    tpu.vector_store %arg4[%swap3A_500, %swap3A_501, %swap3A_502], %swap3A_505 {strides = array<i32>} : memref<1x256x48xi32, #tpu.memory_space<vmem>>, vector<1x256x1xi32>,
    %eq3A_506 = vector.broadcast %broadcast_in_dim3A_497 : vector<256x1xi32> to vector<256x2048xi32>
    %eq3A_507 = arith.cmpi eq, %iota3A, %eq3A_506 : vector<256x2048xi32>
    %jit3A_508 = arith.constant 0x7F800000 : f32
    %broadcast_in_dim3A_509 = vector.broadcast %jit3A_508 : f32 to vector<256x2048xf32>
    %select_n3A_510 = arith.select %eq3A_507, %broadcast_in_dim3A_509, %select_n3A_495 : vector<256x2048xi1>, vector<256x2048xf32>
    %argmin3A_511 = tpu.reduce_index %select_n3A_510 {axis = 1 : i32, kind = #tpu.reduction_kind<arg_min>} : vector<256x2048xf32> -> vector<256xi32>
    %broadcast_in_dim3A_512 = vector.shape_cast %argmin3A_511 : vector<256xi32> to vector<256x1xi32>
    %add3A_513 = vector.broadcast %mul3A_51 : i32 to vector<256x1xi32>
    %add3A_514 = arith.addi %broadcast_in_dim3A_512, %add3A_513 : vector<256x1xi32>
    %swap3A_515 = arith.constant 0 : index
    %swap3A_516 = arith.constant 0 : index
    %swap3A_517 = arith.constant 47 : index
    %swap3A_518 = vector.load %arg4[%swap3A_515, %swap3A_516, %swap3A_517] : memref<1x256x48xi32, #tpu.memory_space<vmem>>, vector<1x256x1xi32>
    %swap3A_519 = vector.shape_cast %swap3A_518 : vector<1x256x1xi32> to vector<256x1xi32>
    %swap3A_520 = vector.shape_cast %add3A_514 : vector<256x1xi32> to vector<1x256x1xi32>
    tpu.vector_store %arg4[%swap3A_515, %swap3A_516, %swap3A_517], %swap3A_520 {strides = array<i32>} : memref<1x256x48xi32, #tpu.memory_space<vmem>>, vector<1x256x1xi32>,
    %eq3A_521 = vector.broadcast %broadcast_in_dim3A_512 : vector<256x1xi32> to vector<256x2048xi32>
    %eq3A_522 = arith.cmpi eq, %iota3A, %eq3A_521 : vector<256x2048xi32>
    %jit3A_523 = arith.constant 0x7F800000 : f32
    %broadcast_in_dim3A_524 = vector.broadcast %jit3A_523 : f32 to vector<256x2048xf32>
    %select_n3A_525 = arith.select %eq3A_522, %broadcast_in_dim3A_524, %select_n3A_510 : vector<256x2048xi1>, vector<256x2048xf32>
    %argmin3A_526 = tpu.reduce_index %select_n3A_525 {axis = 1 : i32, kind = #tpu.reduction_kind<arg_min>} : vector<256x2048xf32> -> vector<256xi32>
    %broadcast_in_dim3A_527 = vector.shape_cast %argmin3A_526 : vector<256xi32> to vector<256x1xi32>
    %add3A_528 = vector.broadcast %mul3A_51 : i32 to vector<256x1xi32>
    %add3A_529 = arith.addi %broadcast_in_dim3A_527, %add3A_528 : vector<256x1xi32>
    %swap3A_530 = arith.constant 0 : index
    %swap3A_531 = arith.constant 0 : index
    %swap3A_532 = arith.constant 16 : index
    %swap3A_533 = vector.load %arg4[%swap3A_530, %swap3A_531, %swap3A_532] : memref<1x256x48xi32, #tpu.memory_space<vmem>>, vector<1x256x1xi32>
    %swap3A_534 = vector.shape_cast %swap3A_533 : vector<1x256x1xi32> to vector<256x1xi32>
    %swap3A_535 = vector.shape_cast %add3A_529 : vector<256x1xi32> to vector<1x256x1xi32>
    tpu.vector_store %arg4[%swap3A_530, %swap3A_531, %swap3A_532], %swap3A_535 {strides = array<i32>} : memref<1x256x48xi32, #tpu.memory_space<vmem>>, vector<1x256x1xi32>,
    %eq3A_536 = vector.broadcast %broadcast_in_dim3A_527 : vector<256x1xi32> to vector<256x2048xi32>
    %eq3A_537 = arith.cmpi eq, %iota3A, %eq3A_536 : vector<256x2048xi32>
    %jit3A_538 = arith.constant 0x7F800000 : f32
    %broadcast_in_dim3A_539 = vector.broadcast %jit3A_538 : f32 to vector<256x2048xf32>
    %select_n3A_540 = arith.select %eq3A_537, %broadcast_in_dim3A_539, %select_n3A_525 : vector<256x2048xi1>, vector<256x2048xf32>
    %argmin3A_541 = tpu.reduce_index %select_n3A_540 {axis = 1 : i32, kind = #tpu.reduction_kind<arg_min>} : vector<256x2048xf32> -> vector<256xi32>
    %broadcast_in_dim3A_542 = vector.shape_cast %argmin3A_541 : vector<256xi32> to vector<256x1xi32>
    %eq3A_543 = vector.broadcast %broadcast_in_dim3A_542 : vector<256x1xi32> to vector<256x2048xi32>
    %eq3A_544 = arith.cmpi eq, %iota3A, %eq3A_543 : vector<256x2048xi32>
    %jit3A_545 = arith.constant 0x7F800000 : f32
    %broadcast_in_dim3A_546 = vector.broadcast %jit3A_545 : f32 to vector<256x2048xf32>
    %select_n3A_547 = arith.select %eq3A_544, %broadcast_in_dim3A_546, %select_n3A_540 : vector<256x2048xi1>, vector<256x2048xf32>
    %argmin3A_548 = tpu.reduce_index %select_n3A_547 {axis = 1 : i32, kind = #tpu.reduction_kind<arg_min>} : vector<256x2048xf32> -> vector<256xi32>
    %broadcast_in_dim3A_549 = vector.shape_cast %argmin3A_548 : vector<256xi32> to vector<256x1xi32>
    %add3A_550 = vector.broadcast %mul3A_51 : i32 to vector<256x1xi32>
    %add3A_551 = arith.addi %broadcast_in_dim3A_549, %add3A_550 : vector<256x1xi32>
    %swap3A_552 = arith.constant 0 : index
    %swap3A_553 = arith.constant 0 : index
    %swap3A_554 = arith.constant 17 : index
    %swap3A_555 = vector.load %arg4[%swap3A_552, %swap3A_553, %swap3A_554] : memref<1x256x48xi32, #tpu.memory_space<vmem>>, vector<1x256x1xi32>
    %swap3A_556 = vector.shape_cast %swap3A_555 : vector<1x256x1xi32> to vector<256x1xi32>
    %swap3A_557 = vector.shape_cast %add3A_551 : vector<256x1xi32> to vector<1x256x1xi32>
    tpu.vector_store %arg4[%swap3A_552, %swap3A_553, %swap3A_554], %swap3A_557 {strides = array<i32>} : memref<1x256x48xi32, #tpu.memory_space<vmem>>, vector<1x256x1xi32>,
    %eq3A_558 = vector.broadcast %broadcast_in_dim3A_549 : vector<256x1xi32> to vector<256x2048xi32>
    %eq3A_559 = arith.cmpi eq, %iota3A, %eq3A_558 : vector<256x2048xi32>
    %jit3A_560 = arith.constant 0x7F800000 : f32
    %broadcast_in_dim3A_561 = vector.broadcast %jit3A_560 : f32 to vector<256x2048xf32>
    %select_n3A_562 = arith.select %eq3A_559, %broadcast_in_dim3A_561, %select_n3A_547 : vector<256x2048xi1>, vector<256x2048xf32>
    %argmin3A_563 = tpu.reduce_index %select_n3A_562 {axis = 1 : i32, kind = #tpu.reduction_kind<arg_min>} : vector<256x2048xf32> -> vector<256xi32>
    %broadcast_in_dim3A_564 = vector.shape_cast %argmin3A_563 : vector<256xi32> to vector<256x1xi32>
    %eq3A_565 = vector.broadcast %broadcast_in_dim3A_564 : vector<256x1xi32> to vector<256x2048xi32>
    %eq3A_566 = arith.cmpi eq, %iota3A, %eq3A_565 : vector<256x2048xi32>
    %jit3A_567 = arith.constant 0x7F800000 : f32
    %broadcast_in_dim3A_568 = vector.broadcast %jit3A_567 : f32 to vector<256x2048xf32>
    %select_n3A_569 = arith.select %eq3A_566, %broadcast_in_dim3A_568, %select_n3A_562 : vector<256x2048xi1>, vector<256x2048xf32>
    %argmin3A_570 = tpu.reduce_index %select_n3A_569 {axis = 1 : i32, kind = #tpu.reduction_kind<arg_min>} : vector<256x2048xf32> -> vector<256xi32>
    %broadcast_in_dim3A_571 = vector.shape_cast %argmin3A_570 : vector<256xi32> to vector<256x1xi32>
    %add3A_572 = vector.broadcast %mul3A_51 : i32 to vector<256x1xi32>
    %add3A_573 = arith.addi %broadcast_in_dim3A_571, %add3A_572 : vector<256x1xi32>
    %swap3A_574 = arith.constant 0 : index
    %swap3A_575 = arith.constant 0 : index
    %swap3A_576 = arith.constant 18 : index
    %swap3A_577 = vector.load %arg4[%swap3A_574, %swap3A_575, %swap3A_576] : memref<1x256x48xi32, #tpu.memory_space<vmem>>, vector<1x256x1xi32>
    %swap3A_578 = vector.shape_cast %swap3A_577 : vector<1x256x1xi32> to vector<256x1xi32>
    %swap3A_579 = vector.shape_cast %add3A_573 : vector<256x1xi32> to vector<1x256x1xi32>
    tpu.vector_store %arg4[%swap3A_574, %swap3A_575, %swap3A_576], %swap3A_579 {strides = array<i32>} : memref<1x256x48xi32, #tpu.memory_space<vmem>>, vector<1x256x1xi32>,
    %eq3A_580 = vector.broadcast %broadcast_in_dim3A_571 : vector<256x1xi32> to vector<256x2048xi32>
    %eq3A_581 = arith.cmpi eq, %iota3A, %eq3A_580 : vector<256x2048xi32>
    %jit3A_582 = arith.constant 0x7F800000 : f32
    %broadcast_in_dim3A_583 = vector.broadcast %jit3A_582 : f32 to vector<256x2048xf32>
    %select_n3A_584 = arith.select %eq3A_581, %broadcast_in_dim3A_583, %select_n3A_569 : vector<256x2048xi1>, vector<256x2048xf32>
    %argmin3A_585 = tpu.reduce_index %select_n3A_584 {axis = 1 : i32, kind = #tpu.reduction_kind<arg_min>} : vector<256x2048xf32> -> vector<256xi32>
    %broadcast_in_dim3A_586 = vector.shape_cast %argmin3A_585 : vector<256xi32> to vector<256x1xi32>
    %eq3A_587 = vector.broadcast %broadcast_in_dim3A_586 : vector<256x1xi32> to vector<256x2048xi32>
    %eq3A_588 = arith.cmpi eq, %iota3A, %eq3A_587 : vector<256x2048xi32>
    %jit3A_589 = arith.constant 0x7F800000 : f32
    %broadcast_in_dim3A_590 = vector.broadcast %jit3A_589 : f32 to vector<256x2048xf32>
    %select_n3A_591 = arith.select %eq3A_588, %broadcast_in_dim3A_590, %select_n3A_584 : vector<256x2048xi1>, vector<256x2048xf32>
    %argmin3A_592 = tpu.reduce_index %select_n3A_591 {axis = 1 : i32, kind = #tpu.reduction_kind<arg_min>} : vector<256x2048xf32> -> vector<256xi32>
    %broadcast_in_dim3A_593 = vector.shape_cast %argmin3A_592 : vector<256xi32> to vector<256x1xi32>
    %add3A_594 = vector.broadcast %mul3A_51 : i32 to vector<256x1xi32>
    %add3A_595 = arith.addi %broadcast_in_dim3A_593, %add3A_594 : vector<256x1xi32>
    %swap3A_596 = arith.constant 0 : index
    %swap3A_597 = arith.constant 0 : index
    %swap3A_598 = arith.constant 19 : index
    %swap3A_599 = vector.load %arg4[%swap3A_596, %swap3A_597, %swap3A_598] : memref<1x256x48xi32, #tpu.memory_space<vmem>>, vector<1x256x1xi32>
    %swap3A_600 = vector.shape_cast %swap3A_599 : vector<1x256x1xi32> to vector<256x1xi32>
    %swap3A_601 = vector.shape_cast %add3A_595 : vector<256x1xi32> to vector<1x256x1xi32>
    tpu.vector_store %arg4[%swap3A_596, %swap3A_597, %swap3A_598], %swap3A_601 {strides = array<i32>} : memref<1x256x48xi32, #tpu.memory_space<vmem>>, vector<1x256x1xi32>,
    %eq3A_602 = vector.broadcast %broadcast_in_dim3A_593 : vector<256x1xi32> to vector<256x2048xi32>
    %eq3A_603 = arith.cmpi eq, %iota3A, %eq3A_602 : vector<256x2048xi32>
    %jit3A_604 = arith.constant 0x7F800000 : f32
    %broadcast_in_dim3A_605 = vector.broadcast %jit3A_604 : f32 to vector<256x2048xf32>
    %select_n3A_606 = arith.select %eq3A_603, %broadcast_in_dim3A_605, %select_n3A_591 : vector<256x2048xi1>, vector<256x2048xf32>
    %argmin3A_607 = tpu.reduce_index %select_n3A_606 {axis = 1 : i32, kind = #tpu.reduction_kind<arg_min>} : vector<256x2048xf32> -> vector<256xi32>
    %broadcast_in_dim3A_608 = vector.shape_cast %argmin3A_607 : vector<256xi32> to vector<256x1xi32>
    %eq3A_609 = vector.broadcast %broadcast_in_dim3A_608 : vector<256x1xi32> to vector<256x2048xi32>
    %eq3A_610 = arith.cmpi eq, %iota3A, %eq3A_609 : vector<256x2048xi32>
    %jit3A_611 = arith.constant 0x7F800000 : f32
    %broadcast_in_dim3A_612 = vector.broadcast %jit3A_611 : f32 to vector<256x2048xf32>
    %select_n3A_613 = arith.select %eq3A_610, %broadcast_in_dim3A_612, %select_n3A_606 : vector<256x2048xi1>, vector<256x2048xf32>
    %argmin3A_614 = tpu.reduce_index %select_n3A_613 {axis = 1 : i32, kind = #tpu.reduction_kind<arg_min>} : vector<256x2048xf32> -> vector<256xi32>
    %broadcast_in_dim3A_615 = vector.shape_cast %argmin3A_614 : vector<256xi32> to vector<256x1xi32>
    %add3A_616 = vector.broadcast %mul3A_51 : i32 to vector<256x1xi32>
    %add3A_617 = arith.addi %broadcast_in_dim3A_615, %add3A_616 : vector<256x1xi32>
    %swap3A_618 = arith.constant 0 : index
    %swap3A_619 = arith.constant 0 : index
    %swap3A_620 = arith.constant 20 : index
    %swap3A_621 = vector.load %arg4[%swap3A_618, %swap3A_619, %swap3A_620] : memref<1x256x48xi32, #tpu.memory_space<vmem>>, vector<1x256x1xi32>
    %swap3A_622 = vector.shape_cast %swap3A_621 : vector<1x256x1xi32> to vector<256x1xi32>
    %swap3A_623 = vector.shape_cast %add3A_617 : vector<256x1xi32> to vector<1x256x1xi32>
    tpu.vector_store %arg4[%swap3A_618, %swap3A_619, %swap3A_620], %swap3A_623 {strides = array<i32>} : memref<1x256x48xi32, #tpu.memory_space<vmem>>, vector<1x256x1xi32>,
    %eq3A_624 = vector.broadcast %broadcast_in_dim3A_615 : vector<256x1xi32> to vector<256x2048xi32>
    %eq3A_625 = arith.cmpi eq, %iota3A, %eq3A_624 : vector<256x2048xi32>
    %jit3A_626 = arith.constant 0x7F800000 : f32
    %broadcast_in_dim3A_627 = vector.broadcast %jit3A_626 : f32 to vector<256x2048xf32>
    %select_n3A_628 = arith.select %eq3A_625, %broadcast_in_dim3A_627, %select_n3A_613 : vector<256x2048xi1>, vector<256x2048xf32>
    %argmin3A_629 = tpu.reduce_index %select_n3A_628 {axis = 1 : i32, kind = #tpu.reduction_kind<arg_min>} : vector<256x2048xf32> -> vector<256xi32>
    %broadcast_in_dim3A_630 = vector.shape_cast %argmin3A_629 : vector<256xi32> to vector<256x1xi32>
    %eq3A_631 = vector.broadcast %broadcast_in_dim3A_630 : vector<256x1xi32> to vector<256x2048xi32>
    %eq3A_632 = arith.cmpi eq, %iota3A, %eq3A_631 : vector<256x2048xi32>
    %jit3A_633 = arith.constant 0x7F800000 : f32
    %broadcast_in_dim3A_634 = vector.broadcast %jit3A_633 : f32 to vector<256x2048xf32>
    %select_n3A_635 = arith.select %eq3A_632, %broadcast_in_dim3A_634, %select_n3A_628 : vector<256x2048xi1>, vector<256x2048xf32>
    %argmin3A_636 = tpu.reduce_index %select_n3A_635 {axis = 1 : i32, kind = #tpu.reduction_kind<arg_min>} : vector<256x2048xf32> -> vector<256xi32>
    %broadcast_in_dim3A_637 = vector.shape_cast %argmin3A_636 : vector<256xi32> to vector<256x1xi32>
    %add3A_638 = vector.broadcast %mul3A_51 : i32 to vector<256x1xi32>
    %add3A_639 = arith.addi %broadcast_in_dim3A_637, %add3A_638 : vector<256x1xi32>
    %swap3A_640 = arith.constant 0 : index
    %swap3A_641 = arith.constant 0 : index
    %swap3A_642 = arith.constant 21 : index
    %swap3A_643 = vector.load %arg4[%swap3A_640, %swap3A_641, %swap3A_642] : memref<1x256x48xi32, #tpu.memory_space<vmem>>, vector<1x256x1xi32>
    %swap3A_644 = vector.shape_cast %swap3A_643 : vector<1x256x1xi32> to vector<256x1xi32>
    %swap3A_645 = vector.shape_cast %add3A_639 : vector<256x1xi32> to vector<1x256x1xi32>
    tpu.vector_store %arg4[%swap3A_640, %swap3A_641, %swap3A_642], %swap3A_645 {strides = array<i32>} : memref<1x256x48xi32, #tpu.memory_space<vmem>>, vector<1x256x1xi32>,
    %eq3A_646 = vector.broadcast %broadcast_in_dim3A_637 : vector<256x1xi32> to vector<256x2048xi32>
    %eq3A_647 = arith.cmpi eq, %iota3A, %eq3A_646 : vector<256x2048xi32>
    %jit3A_648 = arith.constant 0x7F800000 : f32
    %broadcast_in_dim3A_649 = vector.broadcast %jit3A_648 : f32 to vector<256x2048xf32>
    %select_n3A_650 = arith.select %eq3A_647, %broadcast_in_dim3A_649, %select_n3A_635 : vector<256x2048xi1>, vector<256x2048xf32>
    %argmin3A_651 = tpu.reduce_index %select_n3A_650 {axis = 1 : i32, kind = #tpu.reduction_kind<arg_min>} : vector<256x2048xf32> -> vector<256xi32>
    %broadcast_in_dim3A_652 = vector.shape_cast %argmin3A_651 : vector<256xi32> to vector<256x1xi32>
    %eq3A_653 = vector.broadcast %broadcast_in_dim3A_652 : vector<256x1xi32> to vector<256x2048xi32>
    %eq3A_654 = arith.cmpi eq, %iota3A, %eq3A_653 : vector<256x2048xi32>
    %jit3A_655 = arith.constant 0x7F800000 : f32
    %broadcast_in_dim3A_656 = vector.broadcast %jit3A_655 : f32 to vector<256x2048xf32>
    %select_n3A_657 = arith.select %eq3A_654, %broadcast_in_dim3A_656, %select_n3A_650 : vector<256x2048xi1>, vector<256x2048xf32>
    %argmin3A_658 = tpu.reduce_index %select_n3A_657 {axis = 1 : i32, kind = #tpu.reduction_kind<arg_min>} : vector<256x2048xf32> -> vector<256xi32>
    %broadcast_in_dim3A_659 = vector.shape_cast %argmin3A_658 : vector<256xi32> to vector<256x1xi32>
    %add3A_660 = vector.broadcast %mul3A_51 : i32 to vector<256x1xi32>
    %add3A_661 = arith.addi %broadcast_in_dim3A_659, %add3A_660 : vector<256x1xi32>
    %swap3A_662 = arith.constant 0 : index
    %swap3A_663 = arith.constant 0 : index
    %swap3A_664 = arith.constant 22 : index
    %swap3A_665 = vector.load %arg4[%swap3A_662, %swap3A_663, %swap3A_664] : memref<1x256x48xi32, #tpu.memory_space<vmem>>, vector<1x256x1xi32>
    %swap3A_666 = vector.shape_cast %swap3A_665 : vector<1x256x1xi32> to vector<256x1xi32>
    %swap3A_667 = vector.shape_cast %add3A_661 : vector<256x1xi32> to vector<1x256x1xi32>
    tpu.vector_store %arg4[%swap3A_662, %swap3A_663, %swap3A_664], %swap3A_667 {strides = array<i32>} : memref<1x256x48xi32, #tpu.memory_space<vmem>>, vector<1x256x1xi32>,
    %eq3A_668 = vector.broadcast %broadcast_in_dim3A_659 : vector<256x1xi32> to vector<256x2048xi32>
    %eq3A_669 = arith.cmpi eq, %iota3A, %eq3A_668 : vector<256x2048xi32>
    %jit3A_670 = arith.constant 0x7F800000 : f32
    %broadcast_in_dim3A_671 = vector.broadcast %jit3A_670 : f32 to vector<256x2048xf32>
    %select_n3A_672 = arith.select %eq3A_669, %broadcast_in_dim3A_671, %select_n3A_657 : vector<256x2048xi1>, vector<256x2048xf32>
    %argmin3A_673 = tpu.reduce_index %select_n3A_672 {axis = 1 : i32, kind = #tpu.reduction_kind<arg_min>} : vector<256x2048xf32> -> vector<256xi32>
    %broadcast_in_dim3A_674 = vector.shape_cast %argmin3A_673 : vector<256xi32> to vector<256x1xi32>
    %eq3A_675 = vector.broadcast %broadcast_in_dim3A_674 : vector<256x1xi32> to vector<256x2048xi32>
    %eq3A_676 = arith.cmpi eq, %iota3A, %eq3A_675 : vector<256x2048xi32>
    %jit3A_677 = arith.constant 0x7F800000 : f32
    %broadcast_in_dim3A_678 = vector.broadcast %jit3A_677 : f32 to vector<256x2048xf32>
    %select_n3A_679 = arith.select %eq3A_676, %broadcast_in_dim3A_678, %select_n3A_672 : vector<256x2048xi1>, vector<256x2048xf32>
    %argmin3A_680 = tpu.reduce_index %select_n3A_679 {axis = 1 : i32, kind = #tpu.reduction_kind<arg_min>} : vector<256x2048xf32> -> vector<256xi32>
    %broadcast_in_dim3A_681 = vector.shape_cast %argmin3A_680 : vector<256xi32> to vector<256x1xi32>
    %add3A_682 = vector.broadcast %mul3A_51 : i32 to vector<256x1xi32>
    %add3A_683 = arith.addi %broadcast_in_dim3A_681, %add3A_682 : vector<256x1xi32>
    %swap3A_684 = arith.constant 0 : index
    %swap3A_685 = arith.constant 0 : index
    %swap3A_686 = arith.constant 23 : index
    %swap3A_687 = vector.load %arg4[%swap3A_684, %swap3A_685, %swap3A_686] : memref<1x256x48xi32, #tpu.memory_space<vmem>>, vector<1x256x1xi32>
    %swap3A_688 = vector.shape_cast %swap3A_687 : vector<1x256x1xi32> to vector<256x1xi32>
    %swap3A_689 = vector.shape_cast %add3A_683 : vector<256x1xi32> to vector<1x256x1xi32>
    tpu.vector_store %arg4[%swap3A_684, %swap3A_685, %swap3A_686], %swap3A_689 {strides = array<i32>} : memref<1x256x48xi32, #tpu.memory_space<vmem>>, vector<1x256x1xi32>,
    %eq3A_690 = vector.broadcast %broadcast_in_dim3A_681 : vector<256x1xi32> to vector<256x2048xi32>
    %eq3A_691 = arith.cmpi eq, %iota3A, %eq3A_690 : vector<256x2048xi32>
    %jit3A_692 = arith.constant 0x7F800000 : f32
    %broadcast_in_dim3A_693 = vector.broadcast %jit3A_692 : f32 to vector<256x2048xf32>
    %select_n3A_694 = arith.select %eq3A_691, %broadcast_in_dim3A_693, %select_n3A_679 : vector<256x2048xi1>, vector<256x2048xf32>
    %argmin3A_695 = tpu.reduce_index %select_n3A_694 {axis = 1 : i32, kind = #tpu.reduction_kind<arg_min>} : vector<256x2048xf32> -> vector<256xi32>
    %broadcast_in_dim3A_696 = vector.shape_cast %argmin3A_695 : vector<256xi32> to vector<256x1xi32>
    %eq3A_697 = vector.broadcast %broadcast_in_dim3A_696 : vector<256x1xi32> to vector<256x2048xi32>
    %eq3A_698 = arith.cmpi eq, %iota3A, %eq3A_697 : vector<256x2048xi32>
    %jit3A_699 = arith.constant 0x7F800000 : f32
    %broadcast_in_dim3A_700 = vector.broadcast %jit3A_699 : f32 to vector<256x2048xf32>
    %select_n3A_701 = arith.select %eq3A_698, %broadcast_in_dim3A_700, %select_n3A_694 : vector<256x2048xi1>, vector<256x2048xf32>
    %argmin3A_702 = tpu.reduce_index %select_n3A_701 {axis = 1 : i32, kind = #tpu.reduction_kind<arg_min>} : vector<256x2048xf32> -> vector<256xi32>
    %broadcast_in_dim3A_703 = vector.shape_cast %argmin3A_702 : vector<256xi32> to vector<256x1xi32>
    %add3A_704 = vector.broadcast %mul3A_51 : i32 to vector<256x1xi32>
    %add3A_705 = arith.addi %broadcast_in_dim3A_703, %add3A_704 : vector<256x1xi32>
    %swap3A_706 = arith.constant 0 : index
    %swap3A_707 = arith.constant 0 : index
    %swap3A_708 = arith.constant 24 : index
    %swap3A_709 = vector.load %arg4[%swap3A_706, %swap3A_707, %swap3A_708] : memref<1x256x48xi32, #tpu.memory_space<vmem>>, vector<1x256x1xi32>
    %swap3A_710 = vector.shape_cast %swap3A_709 : vector<1x256x1xi32> to vector<256x1xi32>
    %swap3A_711 = vector.shape_cast %add3A_705 : vector<256x1xi32> to vector<1x256x1xi32>
    tpu.vector_store %arg4[%swap3A_706, %swap3A_707, %swap3A_708], %swap3A_711 {strides = array<i32>} : memref<1x256x48xi32, #tpu.memory_space<vmem>>, vector<1x256x1xi32>,
    %eq3A_712 = vector.broadcast %broadcast_in_dim3A_703 : vector<256x1xi32> to vector<256x2048xi32>
    %eq3A_713 = arith.cmpi eq, %iota3A, %eq3A_712 : vector<256x2048xi32>
    %jit3A_714 = arith.constant 0x7F800000 : f32
    %broadcast_in_dim3A_715 = vector.broadcast %jit3A_714 : f32 to vector<256x2048xf32>
    %select_n3A_716 = arith.select %eq3A_713, %broadcast_in_dim3A_715, %select_n3A_701 : vector<256x2048xi1>, vector<256x2048xf32>
    %argmin3A_717 = tpu.reduce_index %select_n3A_716 {axis = 1 : i32, kind = #tpu.reduction_kind<arg_min>} : vector<256x2048xf32> -> vector<256xi32>
    %broadcast_in_dim3A_718 = vector.shape_cast %argmin3A_717 : vector<256xi32> to vector<256x1xi32>
    %eq3A_719 = vector.broadcast %broadcast_in_dim3A_718 : vector<256x1xi32> to vector<256x2048xi32>
    %eq3A_720 = arith.cmpi eq, %iota3A, %eq3A_719 : vector<256x2048xi32>
    %jit3A_721 = arith.constant 0x7F800000 : f32
    %broadcast_in_dim3A_722 = vector.broadcast %jit3A_721 : f32 to vector<256x2048xf32>
    %select_n3A_723 = arith.select %eq3A_720, %broadcast_in_dim3A_722, %select_n3A_716 : vector<256x2048xi1>, vector<256x2048xf32>
    %argmin3A_724 = tpu.reduce_index %select_n3A_723 {axis = 1 : i32, kind = #tpu.reduction_kind<arg_min>} : vector<256x2048xf32> -> vector<256xi32>
    %broadcast_in_dim3A_725 = vector.shape_cast %argmin3A_724 : vector<256xi32> to vector<256x1xi32>
    %add3A_726 = vector.broadcast %mul3A_51 : i32 to vector<256x1xi32>
    %add3A_727 = arith.addi %broadcast_in_dim3A_725, %add3A_726 : vector<256x1xi32>
    %swap3A_728 = arith.constant 0 : index
    %swap3A_729 = arith.constant 0 : index
    %swap3A_730 = arith.constant 25 : index
    %swap3A_731 = vector.load %arg4[%swap3A_728, %swap3A_729, %swap3A_730] : memref<1x256x48xi32, #tpu.memory_space<vmem>>, vector<1x256x1xi32>
    %swap3A_732 = vector.shape_cast %swap3A_731 : vector<1x256x1xi32> to vector<256x1xi32>
    %swap3A_733 = vector.shape_cast %add3A_727 : vector<256x1xi32> to vector<1x256x1xi32>
    tpu.vector_store %arg4[%swap3A_728, %swap3A_729, %swap3A_730], %swap3A_733 {strides = array<i32>} : memref<1x256x48xi32, #tpu.memory_space<vmem>>, vector<1x256x1xi32>,
    %eq3A_734 = vector.broadcast %broadcast_in_dim3A_725 : vector<256x1xi32> to vector<256x2048xi32>
    %eq3A_735 = arith.cmpi eq, %iota3A, %eq3A_734 : vector<256x2048xi32>
    %jit3A_736 = arith.constant 0x7F800000 : f32
    %broadcast_in_dim3A_737 = vector.broadcast %jit3A_736 : f32 to vector<256x2048xf32>
    %select_n3A_738 = arith.select %eq3A_735, %broadcast_in_dim3A_737, %select_n3A_723 : vector<256x2048xi1>, vector<256x2048xf32>
    %argmin3A_739 = tpu.reduce_index %select_n3A_738 {axis = 1 : i32, kind = #tpu.reduction_kind<arg_min>} : vector<256x2048xf32> -> vector<256xi32>
    %broadcast_in_dim3A_740 = vector.shape_cast %argmin3A_739 : vector<256xi32> to vector<256x1xi32>
    %eq3A_741 = vector.broadcast %broadcast_in_dim3A_740 : vector<256x1xi32> to vector<256x2048xi32>
    %eq3A_742 = arith.cmpi eq, %iota3A, %eq3A_741 : vector<256x2048xi32>
    %jit3A_743 = arith.constant 0x7F800000 : f32
    %broadcast_in_dim3A_744 = vector.broadcast %jit3A_743 : f32 to vector<256x2048xf32>
    %select_n3A_745 = arith.select %eq3A_742, %broadcast_in_dim3A_744, %select_n3A_738 : vector<256x2048xi1>, vector<256x2048xf32>
    %argmin3A_746 = tpu.reduce_index %select_n3A_745 {axis = 1 : i32, kind = #tpu.reduction_kind<arg_min>} : vector<256x2048xf32> -> vector<256xi32>
    %broadcast_in_dim3A_747 = vector.shape_cast %argmin3A_746 : vector<256xi32> to vector<256x1xi32>
    %add3A_748 = vector.broadcast %mul3A_51 : i32 to vector<256x1xi32>
    %add3A_749 = arith.addi %broadcast_in_dim3A_747, %add3A_748 : vector<256x1xi32>
    %swap3A_750 = arith.constant 0 : index
    %swap3A_751 = arith.constant 0 : index
    %swap3A_752 = arith.constant 26 : index
    %swap3A_753 = vector.load %arg4[%swap3A_750, %swap3A_751, %swap3A_752] : memref<1x256x48xi32, #tpu.memory_space<vmem>>, vector<1x256x1xi32>
    %swap3A_754 = vector.shape_cast %swap3A_753 : vector<1x256x1xi32> to vector<256x1xi32>
    %swap3A_755 = vector.shape_cast %add3A_749 : vector<256x1xi32> to vector<1x256x1xi32>
    tpu.vector_store %arg4[%swap3A_750, %swap3A_751, %swap3A_752], %swap3A_755 {strides = array<i32>} : memref<1x256x48xi32, #tpu.memory_space<vmem>>, vector<1x256x1xi32>,
    %eq3A_756 = vector.broadcast %broadcast_in_dim3A_747 : vector<256x1xi32> to vector<256x2048xi32>
    %eq3A_757 = arith.cmpi eq, %iota3A, %eq3A_756 : vector<256x2048xi32>
    %jit3A_758 = arith.constant 0x7F800000 : f32
    %broadcast_in_dim3A_759 = vector.broadcast %jit3A_758 : f32 to vector<256x2048xf32>
    %select_n3A_760 = arith.select %eq3A_757, %broadcast_in_dim3A_759, %select_n3A_745 : vector<256x2048xi1>, vector<256x2048xf32>
    %argmin3A_761 = tpu.reduce_index %select_n3A_760 {axis = 1 : i32, kind = #tpu.reduction_kind<arg_min>} : vector<256x2048xf32> -> vector<256xi32>
    %broadcast_in_dim3A_762 = vector.shape_cast %argmin3A_761 : vector<256xi32> to vector<256x1xi32>
    %eq3A_763 = vector.broadcast %broadcast_in_dim3A_762 : vector<256x1xi32> to vector<256x2048xi32>
    %eq3A_764 = arith.cmpi eq, %iota3A, %eq3A_763 : vector<256x2048xi32>
    %jit3A_765 = arith.constant 0x7F800000 : f32
    %broadcast_in_dim3A_766 = vector.broadcast %jit3A_765 : f32 to vector<256x2048xf32>
    %select_n3A_767 = arith.select %eq3A_764, %broadcast_in_dim3A_766, %select_n3A_760 : vector<256x2048xi1>, vector<256x2048xf32>
    %argmin3A_768 = tpu.reduce_index %select_n3A_767 {axis = 1 : i32, kind = #tpu.reduction_kind<arg_min>} : vector<256x2048xf32> -> vector<256xi32>
    %broadcast_in_dim3A_769 = vector.shape_cast %argmin3A_768 : vector<256xi32> to vector<256x1xi32>
    %add3A_770 = vector.broadcast %mul3A_51 : i32 to vector<256x1xi32>
    %add3A_771 = arith.addi %broadcast_in_dim3A_769, %add3A_770 : vector<256x1xi32>
    %swap3A_772 = arith.constant 0 : index
    %swap3A_773 = arith.constant 0 : index
    %swap3A_774 = arith.constant 27 : index
    %swap3A_775 = vector.load %arg4[%swap3A_772, %swap3A_773, %swap3A_774] : memref<1x256x48xi32, #tpu.memory_space<vmem>>, vector<1x256x1xi32>
    %swap3A_776 = vector.shape_cast %swap3A_775 : vector<1x256x1xi32> to vector<256x1xi32>
    %swap3A_777 = vector.shape_cast %add3A_771 : vector<256x1xi32> to vector<1x256x1xi32>
    tpu.vector_store %arg4[%swap3A_772, %swap3A_773, %swap3A_774], %swap3A_777 {strides = array<i32>} : memref<1x256x48xi32, #tpu.memory_space<vmem>>, vector<1x256x1xi32>,
    %eq3A_778 = vector.broadcast %broadcast_in_dim3A_769 : vector<256x1xi32> to vector<256x2048xi32>
    %eq3A_779 = arith.cmpi eq, %iota3A, %eq3A_778 : vector<256x2048xi32>
    %jit3A_780 = arith.constant 0x7F800000 : f32
    %broadcast_in_dim3A_781 = vector.broadcast %jit3A_780 : f32 to vector<256x2048xf32>
    %select_n3A_782 = arith.select %eq3A_779, %broadcast_in_dim3A_781, %select_n3A_767 : vector<256x2048xi1>, vector<256x2048xf32>
    %argmin3A_783 = tpu.reduce_index %select_n3A_782 {axis = 1 : i32, kind = #tpu.reduction_kind<arg_min>} : vector<256x2048xf32> -> vector<256xi32>
    %broadcast_in_dim3A_784 = vector.shape_cast %argmin3A_783 : vector<256xi32> to vector<256x1xi32>
    %eq3A_785 = vector.broadcast %broadcast_in_dim3A_784 : vector<256x1xi32> to vector<256x2048xi32>
    %eq3A_786 = arith.cmpi eq, %iota3A, %eq3A_785 : vector<256x2048xi32>
    %jit3A_787 = arith.constant 0x7F800000 : f32
    %broadcast_in_dim3A_788 = vector.broadcast %jit3A_787 : f32 to vector<256x2048xf32>
    %select_n3A_789 = arith.select %eq3A_786, %broadcast_in_dim3A_788, %select_n3A_782 : vector<256x2048xi1>, vector<256x2048xf32>
    %argmin3A_790 = tpu.reduce_index %select_n3A_789 {axis = 1 : i32, kind = #tpu.reduction_kind<arg_min>} : vector<256x2048xf32> -> vector<256xi32>
    %broadcast_in_dim3A_791 = vector.shape_cast %argmin3A_790 : vector<256xi32> to vector<256x1xi32>
    %add3A_792 = vector.broadcast %mul3A_51 : i32 to vector<256x1xi32>
    %add3A_793 = arith.addi %broadcast_in_dim3A_791, %add3A_792 : vector<256x1xi32>
    %swap3A_794 = arith.constant 0 : index
    %swap3A_795 = arith.constant 0 : index
    %swap3A_796 = arith.constant 28 : index
    %swap3A_797 = vector.load %arg4[%swap3A_794, %swap3A_795, %swap3A_796] : memref<1x256x48xi32, #tpu.memory_space<vmem>>, vector<1x256x1xi32>
    %swap3A_798 = vector.shape_cast %swap3A_797 : vector<1x256x1xi32> to vector<256x1xi32>
    %swap3A_799 = vector.shape_cast %add3A_793 : vector<256x1xi32> to vector<1x256x1xi32>
    tpu.vector_store %arg4[%swap3A_794, %swap3A_795, %swap3A_796], %swap3A_799 {strides = array<i32>} : memref<1x256x48xi32, #tpu.memory_space<vmem>>, vector<1x256x1xi32>,
    %eq3A_800 = vector.broadcast %broadcast_in_dim3A_791 : vector<256x1xi32> to vector<256x2048xi32>
    %eq3A_801 = arith.cmpi eq, %iota3A, %eq3A_800 : vector<256x2048xi32>
    %jit3A_802 = arith.constant 0x7F800000 : f32
    %broadcast_in_dim3A_803 = vector.broadcast %jit3A_802 : f32 to vector<256x2048xf32>
    %select_n3A_804 = arith.select %eq3A_801, %broadcast_in_dim3A_803, %select_n3A_789 : vector<256x2048xi1>, vector<256x2048xf32>
    %argmin3A_805 = tpu.reduce_index %select_n3A_804 {axis = 1 : i32, kind = #tpu.reduction_kind<arg_min>} : vector<256x2048xf32> -> vector<256xi32>
    %broadcast_in_dim3A_806 = vector.shape_cast %argmin3A_805 : vector<256xi32> to vector<256x1xi32>
    %eq3A_807 = vector.broadcast %broadcast_in_dim3A_806 : vector<256x1xi32> to vector<256x2048xi32>
    %eq3A_808 = arith.cmpi eq, %iota3A, %eq3A_807 : vector<256x2048xi32>
    %jit3A_809 = arith.constant 0x7F800000 : f32
    %broadcast_in_dim3A_810 = vector.broadcast %jit3A_809 : f32 to vector<256x2048xf32>
    %select_n3A_811 = arith.select %eq3A_808, %broadcast_in_dim3A_810, %select_n3A_804 : vector<256x2048xi1>, vector<256x2048xf32>
    %argmin3A_812 = tpu.reduce_index %select_n3A_811 {axis = 1 : i32, kind = #tpu.reduction_kind<arg_min>} : vector<256x2048xf32> -> vector<256xi32>
    %broadcast_in_dim3A_813 = vector.shape_cast %argmin3A_812 : vector<256xi32> to vector<256x1xi32>
    %add3A_814 = vector.broadcast %mul3A_51 : i32 to vector<256x1xi32>
    %add3A_815 = arith.addi %broadcast_in_dim3A_813, %add3A_814 : vector<256x1xi32>
    %swap3A_816 = arith.constant 0 : index
    %swap3A_817 = arith.constant 0 : index
    %swap3A_818 = arith.constant 29 : index
    %swap3A_819 = vector.load %arg4[%swap3A_816, %swap3A_817, %swap3A_818] : memref<1x256x48xi32, #tpu.memory_space<vmem>>, vector<1x256x1xi32>
    %swap3A_820 = vector.shape_cast %swap3A_819 : vector<1x256x1xi32> to vector<256x1xi32>
    %swap3A_821 = vector.shape_cast %add3A_815 : vector<256x1xi32> to vector<1x256x1xi32>
    tpu.vector_store %arg4[%swap3A_816, %swap3A_817, %swap3A_818], %swap3A_821 {strides = array<i32>} : memref<1x256x48xi32, #tpu.memory_space<vmem>>, vector<1x256x1xi32>,
    %eq3A_822 = vector.broadcast %broadcast_in_dim3A_813 : vector<256x1xi32> to vector<256x2048xi32>
    %eq3A_823 = arith.cmpi eq, %iota3A, %eq3A_822 : vector<256x2048xi32>
    %jit3A_824 = arith.constant 0x7F800000 : f32
    %broadcast_in_dim3A_825 = vector.broadcast %jit3A_824 : f32 to vector<256x2048xf32>
    %select_n3A_826 = arith.select %eq3A_823, %broadcast_in_dim3A_825, %select_n3A_811 : vector<256x2048xi1>, vector<256x2048xf32>
    %argmin3A_827 = tpu.reduce_index %select_n3A_826 {axis = 1 : i32, kind = #tpu.reduction_kind<arg_min>} : vector<256x2048xf32> -> vector<256xi32>
    %broadcast_in_dim3A_828 = vector.shape_cast %argmin3A_827 : vector<256xi32> to vector<256x1xi32>
    %eq3A_829 = vector.broadcast %broadcast_in_dim3A_828 : vector<256x1xi32> to vector<256x2048xi32>
    %eq3A_830 = arith.cmpi eq, %iota3A, %eq3A_829 : vector<256x2048xi32>
    %jit3A_831 = arith.constant 0x7F800000 : f32
    %broadcast_in_dim3A_832 = vector.broadcast %jit3A_831 : f32 to vector<256x2048xf32>
    %select_n3A_833 = arith.select %eq3A_830, %broadcast_in_dim3A_832, %select_n3A_826 : vector<256x2048xi1>, vector<256x2048xf32>
    %argmin3A_834 = tpu.reduce_index %select_n3A_833 {axis = 1 : i32, kind = #tpu.reduction_kind<arg_min>} : vector<256x2048xf32> -> vector<256xi32>
    %broadcast_in_dim3A_835 = vector.shape_cast %argmin3A_834 : vector<256xi32> to vector<256x1xi32>
    %add3A_836 = vector.broadcast %mul3A_51 : i32 to vector<256x1xi32>
    %add3A_837 = arith.addi %broadcast_in_dim3A_835, %add3A_836 : vector<256x1xi32>
    %swap3A_838 = arith.constant 0 : index
    %swap3A_839 = arith.constant 0 : index
    %swap3A_840 = arith.constant 30 : index
    %swap3A_841 = vector.load %arg4[%swap3A_838, %swap3A_839, %swap3A_840] : memref<1x256x48xi32, #tpu.memory_space<vmem>>, vector<1x256x1xi32>
    %swap3A_842 = vector.shape_cast %swap3A_841 : vector<1x256x1xi32> to vector<256x1xi32>
    %swap3A_843 = vector.shape_cast %add3A_837 : vector<256x1xi32> to vector<1x256x1xi32>
    tpu.vector_store %arg4[%swap3A_838, %swap3A_839, %swap3A_840], %swap3A_843 {strides = array<i32>} : memref<1x256x48xi32, #tpu.memory_space<vmem>>, vector<1x256x1xi32>,
    %eq3A_844 = vector.broadcast %broadcast_in_dim3A_835 : vector<256x1xi32> to vector<256x2048xi32>
    %eq3A_845 = arith.cmpi eq, %iota3A, %eq3A_844 : vector<256x2048xi32>
    %jit3A_846 = arith.constant 0x7F800000 : f32
    %broadcast_in_dim3A_847 = vector.broadcast %jit3A_846 : f32 to vector<256x2048xf32>
    %select_n3A_848 = arith.select %eq3A_845, %broadcast_in_dim3A_847, %select_n3A_833 : vector<256x2048xi1>, vector<256x2048xf32>
    %argmin3A_849 = tpu.reduce_index %select_n3A_848 {axis = 1 : i32, kind = #tpu.reduction_kind<arg_min>} : vector<256x2048xf32> -> vector<256xi32>
    %broadcast_in_dim3A_850 = vector.shape_cast %argmin3A_849 : vector<256xi32> to vector<256x1xi32>
    %eq3A_851 = vector.broadcast %broadcast_in_dim3A_850 : vector<256x1xi32> to vector<256x2048xi32>
    %eq3A_852 = arith.cmpi eq, %iota3A, %eq3A_851 : vector<256x2048xi32>
    %jit3A_853 = arith.constant 0x7F800000 : f32
    %broadcast_in_dim3A_854 = vector.broadcast %jit3A_853 : f32 to vector<256x2048xf32>
    %select_n3A_855 = arith.select %eq3A_852, %broadcast_in_dim3A_854, %select_n3A_848 : vector<256x2048xi1>, vector<256x2048xf32>
    %argmin3A_856 = tpu.reduce_index %select_n3A_855 {axis = 1 : i32, kind = #tpu.reduction_kind<arg_min>} : vector<256x2048xf32> -> vector<256xi32>
    %broadcast_in_dim3A_857 = vector.shape_cast %argmin3A_856 : vector<256xi32> to vector<256x1xi32>
    %add3A_858 = vector.broadcast %mul3A_51 : i32 to vector<256x1xi32>
    %add3A_859 = arith.addi %broadcast_in_dim3A_857, %add3A_858 : vector<256x1xi32>
    %swap3A_860 = arith.constant 0 : index
    %swap3A_861 = arith.constant 0 : index
    %swap3A_862 = arith.constant 31 : index
    %swap3A_863 = vector.load %arg4[%swap3A_860, %swap3A_861, %swap3A_862] : memref<1x256x48xi32, #tpu.memory_space<vmem>>, vector<1x256x1xi32>
    %swap3A_864 = vector.shape_cast %swap3A_863 : vector<1x256x1xi32> to vector<256x1xi32>
    %swap3A_865 = vector.shape_cast %add3A_859 : vector<256x1xi32> to vector<1x256x1xi32>
    tpu.vector_store %arg4[%swap3A_860, %swap3A_861, %swap3A_862], %swap3A_865 {strides = array<i32>} : memref<1x256x48xi32, #tpu.memory_space<vmem>>, vector<1x256x1xi32>,
    return
  }
  func.func @transform_0(%arg0: i32, %arg1: i32) -> (i32, i32, i32) {
    %c0_i32 = arith.constant 0 : i32
    %c0_i32_0 = arith.constant 0 : i32
    %c0_i32_1 = arith.constant 0 : i32
    return %arg0, %c0_i32, %c0_i32_0 : i32, i32, i32
  }
  func.func @transform_1(%arg0: i32, %arg1: i32) -> (i32, i32, i32) {
    %c0_i32 = arith.constant 0 : i32
    %c0_i32_0 = arith.constant 0 : i32
    return %arg0, %arg1, %c0_i32 : i32, i32, i32
  }
  func.func @transform_2(%arg0: i32, %arg1: i32) -> (i32, i32, i32) {
    %c0_i32 = arith.constant 0 : i32
    %c0_i32_0 = arith.constant 0 : i32
    return %arg0, %arg1, %c0_i32 : i32, i32, i32
  }
}

module attributes {stable_mosaic.version = 14 : i64} {
  func.func @_pre_body(%arg0: i32, %arg1: memref<2048x64xf32, #tpu.memory_space<vmem>>, %arg2: memref<64x64xf32, #tpu.memory_space<vmem>>, %arg3: memref<1x64xf32, #tpu.memory_space<vmem>>, %arg4: memref<64x64xf32, #tpu.memory_space<vmem>>, %arg5: memref<1x64xf32, #tpu.memory_space<vmem>>, %arg6: memref<2048x128xf32, #tpu.memory_space<vmem>>) attributes {dimension_semantics = [#tpu.dimension_semantics<arbitrary>], iteration_bounds = array<i64: 8>, scalar_prefetch = 0 : i64, scratch_operands = 0 : i64, tpu.core_type = #tpu.core_type<tc>, window_params = [{transform_indices = @transform_0, window_bounds = array<i64: 2048, 64>}, {pipeline_mode = #tpu.pipeline_mode<synchronous>, transform_indices = @transform_1, window_bounds = array<i64: 64, 64>}, {pipeline_mode = #tpu.pipeline_mode<synchronous>, transform_indices = @transform_2, window_bounds = array<i64: 1, 64>}, {pipeline_mode = #tpu.pipeline_mode<synchronous>, transform_indices = @transform_3, window_bounds = array<i64: 64, 64>}, {pipeline_mode = #tpu.pipeline_mode<synchronous>, transform_indices = @transform_4, window_bounds = array<i64: 1, 64>}, {transform_indices = @transform_5, window_bounds = array<i64: 2048, 128>}]} {
    %get3A = arith.constant 0 : index
    %get3A_0 = arith.constant 0 : index
    %get3A_1 = vector.load %arg1[%get3A, %get3A_0] : memref<2048x64xf32, #tpu.memory_space<vmem>>, vector<2048x64xf32>
    %get3A_2 = arith.constant 0 : index
    %get3A_3 = arith.constant 0 : index
    %get3A_4 = vector.load %arg2[%get3A_2, %get3A_3] : memref<64x64xf32, #tpu.memory_space<vmem>>, vector<64x64xf32>
    %dot_general3A = arith.constant dense<0.000000e+00> : vector<2048x64xf32>
    %dot_general3A_5 = tpu.matmul %get3A_1, %get3A_4, %dot_general3A {dimension_numbers = #tpu.dot_dimension_numbers<[1], [0], [0], [1], [0, 0, 1, 1], [], []>, transpose_lhs_hint = false} : vector<2048x64xf32>, vector<64x64xf32>, vector<2048x64xf32> -> vector<2048x64xf32>
    %get3A_6 = arith.constant 0 : index
    %get3A_7 = arith.constant 0 : index
    %get3A_8 = vector.load %arg3[%get3A_6, %get3A_7] : memref<1x64xf32, #tpu.memory_space<vmem>>, vector<1x64xf32>
    %add3A = vector.broadcast %get3A_8 : vector<1x64xf32> to vector<2048x64xf32>
    %add3A_9 = arith.addf %dot_general3A_5, %add3A : vector<2048x64xf32>
    %max3A = arith.constant 0.000000e+00 : f32
    %max3A_10 = vector.broadcast %max3A : f32 to vector<2048x64xf32>
    %max3A_11 = arith.maximumf %add3A_9, %max3A_10 : vector<2048x64xf32>
    %get3A_12 = arith.constant 0 : index
    %get3A_13 = arith.constant 0 : index
    %get3A_14 = vector.load %arg4[%get3A_12, %get3A_13] : memref<64x64xf32, #tpu.memory_space<vmem>>, vector<64x64xf32>
    %dot_general3A_15 = arith.constant dense<0.000000e+00> : vector<2048x64xf32>
    %dot_general3A_16 = tpu.matmul %get3A_1, %get3A_14, %dot_general3A_15 {dimension_numbers = #tpu.dot_dimension_numbers<[1], [0], [0], [1], [0, 0, 1, 1], [], []>, transpose_lhs_hint = false} : vector<2048x64xf32>, vector<64x64xf32>, vector<2048x64xf32> -> vector<2048x64xf32>
    %get3A_17 = arith.constant 0 : index
    %get3A_18 = arith.constant 0 : index
    %get3A_19 = vector.load %arg5[%get3A_17, %get3A_18] : memref<1x64xf32, #tpu.memory_space<vmem>>, vector<1x64xf32>
    %add3A_20 = vector.broadcast %get3A_19 : vector<1x64xf32> to vector<2048x64xf32>
    %add3A_21 = arith.addf %dot_general3A_16, %add3A_20 : vector<2048x64xf32>
    %max3A_22 = arith.constant 0.000000e+00 : f32
    %max3A_23 = vector.broadcast %max3A_22 : f32 to vector<2048x64xf32>
    %max3A_24 = arith.maximumf %add3A_21, %max3A_23 : vector<2048x64xf32>
    %concatenate3A = tpu.concatenate %max3A_11, %max3A_24 in 1 : vector<2048x64xf32>, vector<2048x64xf32> -> vector<2048x128xf32>
    %swap3A = arith.constant 0 : index
    %swap3A_25 = arith.constant 0 : index
    %swap3A_26 = vector.load %arg6[%swap3A, %swap3A_25] : memref<2048x128xf32, #tpu.memory_space<vmem>>, vector<2048x128xf32>
    tpu.vector_store %arg6[%swap3A, %swap3A_25], %concatenate3A {strides = array<i32>} : memref<2048x128xf32, #tpu.memory_space<vmem>>, vector<2048x128xf32>,
    return
  }
  func.func @transform_0(%arg0: i32) -> (i32, i32) {
    %c0_i32 = arith.constant 0 : i32
    %c0_i32_0 = arith.constant 0 : i32
    return %arg0, %c0_i32 : i32, i32
  }
  func.func @transform_1(%arg0: i32) -> (i32, i32) {
    %c0_i32 = arith.constant 0 : i32
    %c0_i32_0 = arith.constant 0 : i32
    %c0_i32_1 = arith.constant 0 : i32
    return %c0_i32, %c0_i32_0 : i32, i32
  }
  func.func @transform_2(%arg0: i32) -> (i32, i32) {
    %c0_i32 = arith.constant 0 : i32
    %c0_i32_0 = arith.constant 0 : i32
    %c0_i32_1 = arith.constant 0 : i32
    return %c0_i32, %c0_i32_0 : i32, i32
  }
  func.func @transform_3(%arg0: i32) -> (i32, i32) {
    %c0_i32 = arith.constant 0 : i32
    %c0_i32_0 = arith.constant 0 : i32
    %c0_i32_1 = arith.constant 0 : i32
    return %c0_i32, %c0_i32_0 : i32, i32
  }
  func.func @transform_4(%arg0: i32) -> (i32, i32) {
    %c0_i32 = arith.constant 0 : i32
    %c0_i32_0 = arith.constant 0 : i32
    %c0_i32_1 = arith.constant 0 : i32
    return %c0_i32, %c0_i32_0 : i32, i32
  }
  func.func @transform_5(%arg0: i32) -> (i32, i32) {
    %c0_i32 = arith.constant 0 : i32
    %c0_i32_0 = arith.constant 0 : i32
    return %arg0, %c0_i32 : i32, i32
  }
}

module attributes {stable_mosaic.version = 14 : i64} {
  func.func @_mlp_body(%arg0: i32, %arg1: i32, %arg2: memref<6144x128xf32, #tpu.memory_space<vmem>>, %arg3: memref<64x128xf32, #tpu.memory_space<vmem>>, %arg4: memref<1x128xf32, #tpu.memory_space<vmem>>, %arg5: memref<128x128xf32, #tpu.memory_space<vmem>>, %arg6: memref<1x128xf32, #tpu.memory_space<vmem>>, %arg7: memref<64x128xf32, #tpu.memory_space<vmem>>, %arg8: memref<1x128xf32, #tpu.memory_space<vmem>>, %arg9: memref<128x128xf32, #tpu.memory_space<vmem>>, %arg10: memref<1x128xf32, #tpu.memory_space<vmem>>, %arg11: memref<256x512xf32, #tpu.memory_space<vmem>>, %arg12: memref<1x512xf32, #tpu.memory_space<vmem>>, %arg13: memref<512x1024xf32, #tpu.memory_space<vmem>>, %arg14: memref<1x1024xf32, #tpu.memory_space<vmem>>, %arg15: memref<1024x1024xf32, #tpu.memory_space<vmem>>, %arg16: memref<1x1024xf32, #tpu.memory_space<vmem>>, %arg17: memref<1x1024x128xf32, #tpu.memory_space<vmem>>) attributes {dimension_semantics = [#tpu.dimension_semantics<arbitrary>, #tpu.dimension_semantics<arbitrary>], iteration_bounds = array<i64: 8, 16>, scalar_prefetch = 0 : i64, scratch_operands = 0 : i64, tpu.core_type = #tpu.core_type<tc>, window_params = [{transform_indices = @transform_0, window_bounds = array<i64: 6144, 128>}, {pipeline_mode = #tpu.pipeline_mode<synchronous>, transform_indices = @transform_1, window_bounds = array<i64: 64, 128>}, {pipeline_mode = #tpu.pipeline_mode<synchronous>, transform_indices = @transform_2, window_bounds = array<i64: 1, 128>}, {pipeline_mode = #tpu.pipeline_mode<synchronous>, transform_indices = @transform_3, window_bounds = array<i64: 128, 128>}, {pipeline_mode = #tpu.pipeline_mode<synchronous>, transform_indices = @transform_4, window_bounds = array<i64: 1, 128>}, {pipeline_mode = #tpu.pipeline_mode<synchronous>, transform_indices = @transform_5, window_bounds = array<i64: 64, 128>}, {pipeline_mode = #tpu.pipeline_mode<synchronous>, transform_indices = @transform_6, window_bounds = array<i64: 1, 128>}, {pipeline_mode = #tpu.pipeline_mode<synchronous>, transform_indices = @transform_7, window_bounds = array<i64: 128, 128>}, {pipeline_mode = #tpu.pipeline_mode<synchronous>, transform_indices = @transform_8, window_bounds = array<i64: 1, 128>}, {pipeline_mode = #tpu.pipeline_mode<synchronous>, transform_indices = @transform_9, window_bounds = array<i64: 256, 512>}, {pipeline_mode = #tpu.pipeline_mode<synchronous>, transform_indices = @transform_10, window_bounds = array<i64: 1, 512>}, {pipeline_mode = #tpu.pipeline_mode<synchronous>, transform_indices = @transform_11, window_bounds = array<i64: 512, 1024>}, {pipeline_mode = #tpu.pipeline_mode<synchronous>, transform_indices = @transform_12, window_bounds = array<i64: 1, 1024>}, {pipeline_mode = #tpu.pipeline_mode<synchronous>, transform_indices = @transform_13, window_bounds = array<i64: 1024, 1024>}, {pipeline_mode = #tpu.pipeline_mode<synchronous>, transform_indices = @transform_14, window_bounds = array<i64: 1, 1024>}, {transform_indices = @transform_15, window_bounds = array<i64: 1, 1024, 128>}]} {
    %get3A = arith.constant 0 : index
    %get3A_0 = arith.constant 0 : index
    %get3A_1 = vector.load %arg2[%get3A, %get3A_0] : memref<6144x128xf32, #tpu.memory_space<vmem>>, vector<6144x128xf32>
    %reshape3A = vector.shape_cast %get3A_1 : vector<6144x128xf32> to vector<128x48x128xf32>
    %slice3A = vector.extract_strided_slice %reshape3A {offsets = [0, 0, 64], sizes = [128, 32, 64], strides = [1, 1, 1]} : vector<128x48x128xf32> to vector<128x32x64xf32>
    %reshape3A_2 = vector.shape_cast %slice3A : vector<128x32x64xf32> to vector<4096x64xf32>
    %convert_element_type3A = arith.truncf %reshape3A_2 : vector<4096x64xf32> to vector<4096x64xbf16>
    %slice3A_3 = vector.extract_strided_slice %reshape3A {offsets = [0, 0, 0], sizes = [128, 16, 64], strides = [1, 1, 1]} : vector<128x48x128xf32> to vector<128x16x64xf32>
    %slice3A_4 = vector.extract_strided_slice %reshape3A {offsets = [0, 32, 0], sizes = [128, 16, 64], strides = [1, 1, 1]} : vector<128x48x128xf32> to vector<128x16x64xf32>
    %concatenate3A = tpu.concatenate %slice3A_3, %slice3A_4 in 1 : vector<128x16x64xf32>, vector<128x16x64xf32> -> vector<128x32x64xf32>
    %reshape3A_5 = vector.shape_cast %concatenate3A : vector<128x32x64xf32> to vector<4096x64xf32>
    %convert_element_type3A_6 = arith.truncf %reshape3A_5 : vector<4096x64xf32> to vector<4096x64xbf16>
    %get3A_7 = arith.constant 0 : index
    %get3A_8 = arith.constant 0 : index
    %get3A_9 = vector.load %arg3[%get3A_7, %get3A_8] : memref<64x128xf32, #tpu.memory_space<vmem>>, vector<64x128xf32>
    %get3A_10 = arith.constant 0 : index
    %get3A_11 = arith.constant 0 : index
    %get3A_12 = vector.load %arg4[%get3A_10, %get3A_11] : memref<1x128xf32, #tpu.memory_space<vmem>>, vector<1x128xf32>
    %get3A_13 = arith.constant 0 : index
    %get3A_14 = arith.constant 0 : index
    %get3A_15 = vector.load %arg5[%get3A_13, %get3A_14] : memref<128x128xf32, #tpu.memory_space<vmem>>, vector<128x128xf32>
    %get3A_16 = arith.constant 0 : index
    %get3A_17 = arith.constant 0 : index
    %get3A_18 = vector.load %arg6[%get3A_16, %get3A_17] : memref<1x128xf32, #tpu.memory_space<vmem>>, vector<1x128xf32>
    %convert_element_type3A_19 = arith.truncf %get3A_9 : vector<64x128xf32> to vector<64x128xbf16>
    %dot_general3A = arith.constant dense<0.000000e+00> : vector<4096x128xf32>
    %dot_general3A_20 = tpu.matmul %convert_element_type3A_6, %convert_element_type3A_19, %dot_general3A {dimension_numbers = #tpu.dot_dimension_numbers<[1], [0], [0], [1], [0, 0, 1, 1], [], []>, transpose_lhs_hint = false} : vector<4096x64xbf16>, vector<64x128xbf16>, vector<4096x128xf32> -> vector<4096x128xf32>
    %add3A = vector.broadcast %get3A_12 : vector<1x128xf32> to vector<4096x128xf32>
    %add3A_21 = arith.addf %dot_general3A_20, %add3A : vector<4096x128xf32>
    %max3A = arith.constant 0.000000e+00 : f32
    %max3A_22 = vector.broadcast %max3A : f32 to vector<4096x128xf32>
    %max3A_23 = arith.maximumf %add3A_21, %max3A_22 : vector<4096x128xf32>
    %convert_element_type3A_24 = arith.truncf %max3A_23 : vector<4096x128xf32> to vector<4096x128xbf16>
    %convert_element_type3A_25 = arith.truncf %get3A_15 : vector<128x128xf32> to vector<128x128xbf16>
    %dot_general3A_26 = arith.constant dense<0.000000e+00> : vector<4096x128xf32>
    %dot_general3A_27 = tpu.matmul %convert_element_type3A_24, %convert_element_type3A_25, %dot_general3A_26 {dimension_numbers = #tpu.dot_dimension_numbers<[1], [0], [0], [1], [0, 0, 1, 1], [], []>, transpose_lhs_hint = false} : vector<4096x128xbf16>, vector<128x128xbf16>, vector<4096x128xf32> -> vector<4096x128xf32>
    %add3A_28 = vector.broadcast %get3A_18 : vector<1x128xf32> to vector<4096x128xf32>
    %add3A_29 = arith.addf %dot_general3A_27, %add3A_28 : vector<4096x128xf32>
    %reshape3A_30 = vector.shape_cast %add3A_29 : vector<4096x128xf32> to vector<128x32x128xf32>
    %reduce_max3A = arith.constant dense<0xFF800000> : vector<128x128xf32>
    %reduce_max3A_31 = vector.multi_reduction <maximumf>, %reshape3A_30, %reduce_max3A [1] : vector<128x32x128xf32> to vector<128x128xf32>
    %get3A_32 = arith.constant 0 : index
    %get3A_33 = arith.constant 0 : index
    %get3A_34 = vector.load %arg7[%get3A_32, %get3A_33] : memref<64x128xf32, #tpu.memory_space<vmem>>, vector<64x128xf32>
    %get3A_35 = arith.constant 0 : index
    %get3A_36 = arith.constant 0 : index
    %get3A_37 = vector.load %arg8[%get3A_35, %get3A_36] : memref<1x128xf32, #tpu.memory_space<vmem>>, vector<1x128xf32>
    %get3A_38 = arith.constant 0 : index
    %get3A_39 = arith.constant 0 : index
    %get3A_40 = vector.load %arg9[%get3A_38, %get3A_39] : memref<128x128xf32, #tpu.memory_space<vmem>>, vector<128x128xf32>
    %get3A_41 = arith.constant 0 : index
    %get3A_42 = arith.constant 0 : index
    %get3A_43 = vector.load %arg10[%get3A_41, %get3A_42] : memref<1x128xf32, #tpu.memory_space<vmem>>, vector<1x128xf32>
    %convert_element_type3A_44 = arith.truncf %get3A_34 : vector<64x128xf32> to vector<64x128xbf16>
    %dot_general3A_45 = arith.constant dense<0.000000e+00> : vector<4096x128xf32>
    %dot_general3A_46 = tpu.matmul %convert_element_type3A, %convert_element_type3A_44, %dot_general3A_45 {dimension_numbers = #tpu.dot_dimension_numbers<[1], [0], [0], [1], [0, 0, 1, 1], [], []>, transpose_lhs_hint = false} : vector<4096x64xbf16>, vector<64x128xbf16>, vector<4096x128xf32> -> vector<4096x128xf32>
    %add3A_47 = vector.broadcast %get3A_37 : vector<1x128xf32> to vector<4096x128xf32>
    %add3A_48 = arith.addf %dot_general3A_46, %add3A_47 : vector<4096x128xf32>
    %max3A_49 = arith.constant 0.000000e+00 : f32
    %max3A_50 = vector.broadcast %max3A_49 : f32 to vector<4096x128xf32>
    %max3A_51 = arith.maximumf %add3A_48, %max3A_50 : vector<4096x128xf32>
    %convert_element_type3A_52 = arith.truncf %max3A_51 : vector<4096x128xf32> to vector<4096x128xbf16>
    %convert_element_type3A_53 = arith.truncf %get3A_40 : vector<128x128xf32> to vector<128x128xbf16>
    %dot_general3A_54 = arith.constant dense<0.000000e+00> : vector<4096x128xf32>
    %dot_general3A_55 = tpu.matmul %convert_element_type3A_52, %convert_element_type3A_53, %dot_general3A_54 {dimension_numbers = #tpu.dot_dimension_numbers<[1], [0], [0], [1], [0, 0, 1, 1], [], []>, transpose_lhs_hint = false} : vector<4096x128xbf16>, vector<128x128xbf16>, vector<4096x128xf32> -> vector<4096x128xf32>
    %add3A_56 = vector.broadcast %get3A_43 : vector<1x128xf32> to vector<4096x128xf32>
    %add3A_57 = arith.addf %dot_general3A_55, %add3A_56 : vector<4096x128xf32>
    %reshape3A_58 = vector.shape_cast %add3A_57 : vector<4096x128xf32> to vector<128x32x128xf32>
    %reduce_max3A_59 = arith.constant dense<0xFF800000> : vector<128x128xf32>
    %reduce_max3A_60 = vector.multi_reduction <maximumf>, %reshape3A_58, %reduce_max3A_59 [1] : vector<128x32x128xf32> to vector<128x128xf32>
    %concatenate3A_61 = tpu.concatenate %reduce_max3A_31, %reduce_max3A_60 in 1 : vector<128x128xf32>, vector<128x128xf32> -> vector<128x256xf32>
    %convert_element_type3A_62 = arith.truncf %concatenate3A_61 : vector<128x256xf32> to vector<128x256xbf16>
    %get3A_63 = arith.constant 0 : index
    %get3A_64 = arith.constant 0 : index
    %get3A_65 = vector.load %arg11[%get3A_63, %get3A_64] : memref<256x512xf32, #tpu.memory_space<vmem>>, vector<256x512xf32>
    %convert_element_type3A_66 = arith.truncf %get3A_65 : vector<256x512xf32> to vector<256x512xbf16>
    %dot_general3A_67 = arith.constant dense<0.000000e+00> : vector<128x512xf32>
    %dot_general3A_68 = tpu.matmul %convert_element_type3A_62, %convert_element_type3A_66, %dot_general3A_67 {dimension_numbers = #tpu.dot_dimension_numbers<[1], [0], [0], [1], [0, 0, 1, 1], [], []>, transpose_lhs_hint = false} : vector<128x256xbf16>, vector<256x512xbf16>, vector<128x512xf32> -> vector<128x512xf32>
    %get3A_69 = arith.constant 0 : index
    %get3A_70 = arith.constant 0 : index
    %get3A_71 = vector.load %arg12[%get3A_69, %get3A_70] : memref<1x512xf32, #tpu.memory_space<vmem>>, vector<1x512xf32>
    %add3A_72 = vector.broadcast %get3A_71 : vector<1x512xf32> to vector<128x512xf32>
    %add3A_73 = arith.addf %dot_general3A_68, %add3A_72 : vector<128x512xf32>
    %max3A_74 = arith.constant 0.000000e+00 : f32
    %max3A_75 = vector.broadcast %max3A_74 : f32 to vector<128x512xf32>
    %max3A_76 = arith.maximumf %add3A_73, %max3A_75 : vector<128x512xf32>
    %convert_element_type3A_77 = arith.truncf %max3A_76 : vector<128x512xf32> to vector<128x512xbf16>
    %get3A_78 = arith.constant 0 : index
    %get3A_79 = arith.constant 0 : index
    %get3A_80 = vector.load %arg13[%get3A_78, %get3A_79] : memref<512x1024xf32, #tpu.memory_space<vmem>>, vector<512x1024xf32>
    %convert_element_type3A_81 = arith.truncf %get3A_80 : vector<512x1024xf32> to vector<512x1024xbf16>
    %dot_general3A_82 = arith.constant dense<0.000000e+00> : vector<128x1024xf32>
    %dot_general3A_83 = tpu.matmul %convert_element_type3A_77, %convert_element_type3A_81, %dot_general3A_82 {dimension_numbers = #tpu.dot_dimension_numbers<[1], [0], [0], [1], [0, 0, 1, 1], [], []>, transpose_lhs_hint = false} : vector<128x512xbf16>, vector<512x1024xbf16>, vector<128x1024xf32> -> vector<128x1024xf32>
    %get3A_84 = arith.constant 0 : index
    %get3A_85 = arith.constant 0 : index
    %get3A_86 = vector.load %arg14[%get3A_84, %get3A_85] : memref<1x1024xf32, #tpu.memory_space<vmem>>, vector<1x1024xf32>
    %add3A_87 = vector.broadcast %get3A_86 : vector<1x1024xf32> to vector<128x1024xf32>
    %add3A_88 = arith.addf %dot_general3A_83, %add3A_87 : vector<128x1024xf32>
    %max3A_89 = arith.constant 0.000000e+00 : f32
    %max3A_90 = vector.broadcast %max3A_89 : f32 to vector<128x1024xf32>
    %max3A_91 = arith.maximumf %add3A_88, %max3A_90 : vector<128x1024xf32>
    %convert_element_type3A_92 = arith.truncf %max3A_91 : vector<128x1024xf32> to vector<128x1024xbf16>
    %get3A_93 = arith.constant 0 : index
    %get3A_94 = arith.constant 0 : index
    %get3A_95 = vector.load %arg15[%get3A_93, %get3A_94] : memref<1024x1024xf32, #tpu.memory_space<vmem>>, vector<1024x1024xf32>
    %convert_element_type3A_96 = arith.truncf %get3A_95 : vector<1024x1024xf32> to vector<1024x1024xbf16>
    %dot_general3A_97 = arith.constant dense<0.000000e+00> : vector<128x1024xf32>
    %dot_general3A_98 = tpu.matmul %convert_element_type3A_92, %convert_element_type3A_96, %dot_general3A_97 {dimension_numbers = #tpu.dot_dimension_numbers<[1], [0], [0], [1], [0, 0, 1, 1], [], []>, transpose_lhs_hint = false} : vector<128x1024xbf16>, vector<1024x1024xbf16>, vector<128x1024xf32> -> vector<128x1024xf32>
    %get3A_99 = arith.constant 0 : index
    %get3A_100 = arith.constant 0 : index
    %get3A_101 = vector.load %arg16[%get3A_99, %get3A_100] : memref<1x1024xf32, #tpu.memory_space<vmem>>, vector<1x1024xf32>
    %add3A_102 = vector.broadcast %get3A_101 : vector<1x1024xf32> to vector<128x1024xf32>
    %add3A_103 = arith.addf %dot_general3A_98, %add3A_102 : vector<128x1024xf32>
    %transpose3A = tpu.transpose %add3A_103, [1, 0] : vector<128x1024xf32> -> vector<1024x128xf32>
    %swap3A = arith.constant 0 : index
    %swap3A_104 = arith.constant 0 : index
    %swap3A_105 = arith.constant 0 : index
    %swap3A_106 = vector.load %arg17[%swap3A, %swap3A_104, %swap3A_105] : memref<1x1024x128xf32, #tpu.memory_space<vmem>>, vector<1x1024x128xf32>
    %swap3A_107 = vector.shape_cast %swap3A_106 : vector<1x1024x128xf32> to vector<1024x128xf32>
    %swap3A_108 = vector.shape_cast %transpose3A : vector<1024x128xf32> to vector<1x1024x128xf32>
    tpu.vector_store %arg17[%swap3A, %swap3A_104, %swap3A_105], %swap3A_108 {strides = array<i32>} : memref<1x1024x128xf32, #tpu.memory_space<vmem>>, vector<1x1024x128xf32>,
    return
  }
  func.func @transform_0(%arg0: i32, %arg1: i32) -> (i32, i32) {
    %mul3A = arith.constant 16 : i32
    %mul3A_0 = arith.muli %arg0, %mul3A : i32
    %add3A = arith.addi %mul3A_0, %arg1 : i32
    %c0_i32 = arith.constant 0 : i32
    %c0_i32_1 = arith.constant 0 : i32
    return %add3A, %c0_i32 : i32, i32
  }
  func.func @transform_1(%arg0: i32, %arg1: i32) -> (i32, i32) {
    %c0_i32 = arith.constant 0 : i32
    %c0_i32_0 = arith.constant 0 : i32
    %c0_i32_1 = arith.constant 0 : i32
    return %c0_i32, %c0_i32_0 : i32, i32
  }
  func.func @transform_2(%arg0: i32, %arg1: i32) -> (i32, i32) {
    %c0_i32 = arith.constant 0 : i32
    %c0_i32_0 = arith.constant 0 : i32
    %c0_i32_1 = arith.constant 0 : i32
    return %c0_i32, %c0_i32_0 : i32, i32
  }
  func.func @transform_3(%arg0: i32, %arg1: i32) -> (i32, i32) {
    %c0_i32 = arith.constant 0 : i32
    %c0_i32_0 = arith.constant 0 : i32
    %c0_i32_1 = arith.constant 0 : i32
    return %c0_i32, %c0_i32_0 : i32, i32
  }
  func.func @transform_4(%arg0: i32, %arg1: i32) -> (i32, i32) {
    %c0_i32 = arith.constant 0 : i32
    %c0_i32_0 = arith.constant 0 : i32
    %c0_i32_1 = arith.constant 0 : i32
    return %c0_i32, %c0_i32_0 : i32, i32
  }
  func.func @transform_5(%arg0: i32, %arg1: i32) -> (i32, i32) {
    %c0_i32 = arith.constant 0 : i32
    %c0_i32_0 = arith.constant 0 : i32
    %c0_i32_1 = arith.constant 0 : i32
    return %c0_i32, %c0_i32_0 : i32, i32
  }
  func.func @transform_6(%arg0: i32, %arg1: i32) -> (i32, i32) {
    %c0_i32 = arith.constant 0 : i32
    %c0_i32_0 = arith.constant 0 : i32
    %c0_i32_1 = arith.constant 0 : i32
    return %c0_i32, %c0_i32_0 : i32, i32
  }
  func.func @transform_7(%arg0: i32, %arg1: i32) -> (i32, i32) {
    %c0_i32 = arith.constant 0 : i32
    %c0_i32_0 = arith.constant 0 : i32
    %c0_i32_1 = arith.constant 0 : i32
    return %c0_i32, %c0_i32_0 : i32, i32
  }
  func.func @transform_8(%arg0: i32, %arg1: i32) -> (i32, i32) {
    %c0_i32 = arith.constant 0 : i32
    %c0_i32_0 = arith.constant 0 : i32
    %c0_i32_1 = arith.constant 0 : i32
    return %c0_i32, %c0_i32_0 : i32, i32
  }
  func.func @transform_9(%arg0: i32, %arg1: i32) -> (i32, i32) {
    %c0_i32 = arith.constant 0 : i32
    %c0_i32_0 = arith.constant 0 : i32
    %c0_i32_1 = arith.constant 0 : i32
    return %c0_i32, %c0_i32_0 : i32, i32
  }
  func.func @transform_10(%arg0: i32, %arg1: i32) -> (i32, i32) {
    %c0_i32 = arith.constant 0 : i32
    %c0_i32_0 = arith.constant 0 : i32
    %c0_i32_1 = arith.constant 0 : i32
    return %c0_i32, %c0_i32_0 : i32, i32
  }
  func.func @transform_11(%arg0: i32, %arg1: i32) -> (i32, i32) {
    %c0_i32 = arith.constant 0 : i32
    %c0_i32_0 = arith.constant 0 : i32
    %c0_i32_1 = arith.constant 0 : i32
    return %c0_i32, %c0_i32_0 : i32, i32
  }
  func.func @transform_12(%arg0: i32, %arg1: i32) -> (i32, i32) {
    %c0_i32 = arith.constant 0 : i32
    %c0_i32_0 = arith.constant 0 : i32
    %c0_i32_1 = arith.constant 0 : i32
    return %c0_i32, %c0_i32_0 : i32, i32
  }
  func.func @transform_13(%arg0: i32, %arg1: i32) -> (i32, i32) {
    %c0_i32 = arith.constant 0 : i32
    %c0_i32_0 = arith.constant 0 : i32
    %c0_i32_1 = arith.constant 0 : i32
    return %c0_i32, %c0_i32_0 : i32, i32
  }
  func.func @transform_14(%arg0: i32, %arg1: i32) -> (i32, i32) {
    %c0_i32 = arith.constant 0 : i32
    %c0_i32_0 = arith.constant 0 : i32
    %c0_i32_1 = arith.constant 0 : i32
    return %c0_i32, %c0_i32_0 : i32, i32
  }
  func.func @transform_15(%arg0: i32, %arg1: i32) -> (i32, i32, i32) {
    %c0_i32 = arith.constant 0 : i32
    %c0_i32_0 = arith.constant 0 : i32
    return %arg0, %c0_i32, %arg1 : i32, i32, i32
  }
}

</mosaic_0001>

<sc_bundles>
// kernel: kernel.6.cloned.1.call-start
scs
__scs_entry_jumppad:
0x0: {  	(pc) =	sbr.rel $0x88, $3  }
0x1: {  	(tag) =	ssettag $0x0;
	lr =	simm.s32 $0x1  }
0x2: {  	[smem:$0x3F8D] =	sst lr;
	_ =	strace $0xD0000000  }
0x3: {  	_ = 	snop  }
0x4: {  	_ = 	snop  }
0x5: {  	_ = 	snop  }
0x6: {  	_ = 	snop  }
0x7: {  	_ = 	snop  }
__scs_overlays_trampoline_lowered:
0x8: {  	[smem:$0x3F9C] =	sst s0  }
0x9: {  	[smem:$0x3F9D] =	sst s1  }
0xa: {  	[smem:$0x3F9E] =	sst s2  }
0xb: {  	[smem:$0x3F9F] =	sst s3  }
0xc: {  	[smem:$0x3FA0] =	sst s4  }
0xd: {  	[smem:$0x3FA1] =	sst s5  }
0xe: {  	[smem:$0x3FA2] =	sst s6  }
0xf: {  	[smem:$0x3FA3] =	sst s7  }
0x10: {  	[smem:$0x3FA4] =	sst s8  }
0x11: {  	[smem:$0x3FA5] =	sst s9;
	s0 =	simm.s32 @!p0 $0x0  }
0x12: {  	s1 =	sld [smem:$0x3F8B];
	s0 =	simm.s32 @p0 $0x1  }
0x13: {  	[smem:$0x3FA6] =	sst s0;
	s0 =	simm.s32 @!p1 $0x0  }
0x14: {  	s2 =	sld [smem:$0x3F8A];
	s0 =	simm.s32 @p1 $0x1  }
0x15: {  	[smem:$0x3FA7] =	sst s0;
	s0 =	simm.s32 @!p2 $0x0  }
0x16: {  	s3 =	sld [smem:$0x3FDB];
	s0 =	simm.s32 @p2 $0x1  }
0x17: {  	s4 =	simm.s32 $0x1BF5;
	[smem:$0x3FA9] =	sst s0  }
0x18: {  	s0 =	sld [smem:$0x3F8C];
	_ =	swait.ge [sflag:s4], $0x0  }
0x19: {  	s7 =	sld [smem:$0x3F8D]  }
0x1a: {  	s8 =	sadd.s32 $0xFFFFE003, lr  }
0x1b: {  	s9 =	sadd.s32 $0xFFFFFEF7, lr;
	s5 =	simm.s32 $0xFFFFFFFF;
	p2 =	slt.u32 s8, $0xFFFFF086  }
0x1c: {  	p1 =	slt.u32 s9, $0xF7A;
	s5 =	simm.s32 @!p2 $0x0  }
0x1d: {  	s5 =	simm.s32 @p1 $0x1;
	p0 =	seq.s32 s7, s2  }
0x1e: {  	s7 =	smul.u32 @!p0 $0xF7A, s2;
	p2 =	seq.s32 @!p0 s5, $0x0  }
0x1f: {  	s9 =	smul.u32 $0xF7A, s1;
	s8 =	simm.s32 @!p0 $0x1BF5;
	p2 =	por !p2, p0  }
0x20: {  	[sflag:s8] =	ssyncset.s32 @!p0 $0xFFFFF086;
	s6 =	sadd.s32 @!p0 s3, s7;
	s7 =	simm.s32 @!p0 $0x108  }
0x21: {  	s3 =	sadd.s32 s3, s9;
	s6 =	sadd.s32 @!p0 $0x88, s6;
	s7 =	simm.s32 @p2 $0x1082  }
0x22: {  	[simem:s7], [sflag:s8] =	dma.local @!p0 [hbm:s6], $0xF7A  }
0x23: {  	s9 =	sor.u32 $0xD0000000, s2;
	s6 =	simm.s32 $0x108;
	_ =	swait.ge @!p0 [sflag:s8], $0x0  }
0x24: {  	s3 =	sadd.s32 $0x88, s3;
	s6 =	simm.s32 @!p1 $0x1082;
	[sflag:s4] =	ssyncset.s32 $0xFFFFF086  }
0x25: {  	[simem:s6], [sflag:s4] =	dma.local [hbm:s3], $0xF7A  }
0x26: {  	[smem:$0x3F8D] =	sst s1;
	(tag) =	ssettag s2;
	_ =	strace s9  }
0x27: {  	s1 =	sld [smem:$0x3F9D]  }
0x28: {  	s2 =	sld [smem:$0x3F9E]  }
0x29: {  	s4 =	sld [smem:$0x3FA0]  }
0x2a: {  	p0 =	seq.s32 s5, $0x0;
	s5 =	sld [smem:$0x3FA1]  }
0x2b: {  	s6 =	sld [smem:$0x3FA2]  }
0x2c: {  	s7 =	sld [smem:$0x3FA3]  }
0x2d: {  	s3 =	simm.s32 $0x108;
	s8 =	sld [smem:$0x3FA4]  }
0x2e: {  	s3 =	simm.s32 @!p0 $0x1082;
	s9 =	sld [smem:$0x3FA5]  }
0x2f: {  	lr =	sadd.s32 s0, s3;
	s0 =	sld [smem:$0x3F9C]  }
0x30: {  	s3 =	sld [smem:$0x3F9F]  }
0x31: {  	[smem:$0x3FA8] =	sst s10  }
0x32: {  	s10 =	sld [smem:$0x3FA6];
	_ =	sdelay $0x3  }
0x33: {  	p0 =	seq.s32 s10, $0x1;
	s10 =	sld [smem:$0x3FA8];
	_ =	sdelay $0x3  }
0x34: {  	[smem:$0x3FA8] =	sst s10  }
0x35: {  	s10 =	sld [smem:$0x3FA7];
	_ =	sdelay $0x3  }
0x36: {  	p1 =	seq.s32 s10, $0x1;
	s10 =	sld [smem:$0x3FA8];
	_ =	sdelay $0x3  }
0x37: {  	[smem:$0x3FA8] =	sst s10  }
0x38: {  	s10 =	sld [smem:$0x3FA9]  }
0x39: {  	_ = 	snop;
	(pc) =	sbr.ind lr, $3  }
0x3a: {  	_ = 	snop  }
0x3b: {  	_ = 	snop  }
0x3c: {  	p2 =	seq.s32 s10, $0x1;
	s10 =	sld [smem:$0x3FA8]  }
0x3d: {  	_ =	shalt  }
0x3e: {  	_ =	shalt  }
0x3f: {  	_ =	shalt  }
0x40: {  	_ =	shalt  }
0x41: {  	_ =	shalt  }
0x42: {  	_ =	shalt  }
0x43: {  	_ =	shalt  }
0x44: {  	_ =	shalt  }
0x45: {  	_ =	shalt  }
0x46: {  	_ =	shalt  }
0x47: {  	_ =	shalt  }
0x48: {  	_ =	shalt  }
0x49: {  	_ =	shalt  }
0x4a: {  	_ =	shalt  }
0x4b: {  	_ =	shalt  }
0x4c: {  	_ =	shalt  }
0x4d: {  	_ =	shalt  }
0x4e: {  	_ =	shalt  }
0x4f: {  	_ =	shalt  }
0x50: {  	_ =	shalt  }
0x51: {  	_ =	shalt  }
0x52: {  	_ =	shalt  }
0x53: {  	_ =	shalt  }
0x54: {  	_ =	shalt  }
0x55: {  	_ =	shalt  }
0x56: {  	_ =	shalt  }
0x57: {  	_ =	shalt  }
0x58: {  	_ =	shalt  }
0x59: {  	_ =	shalt  }
0x5a: {  	_ =	shalt  }
0x5b: {  	_ =	shalt  }
0x5c: {  	_ =	shalt  }
0x5d: {  	_ =	shalt  }
0x5e: {  	_ =	shalt  }
0x5f: {  	_ =	shalt  }
0x60: {  	_ =	shalt  }
0x61: {  	_ =	shalt  }
0x62: {  	_ =	shalt  }
0x63: {  	_ =	shalt  }
0x64: {  	_ =	shalt  }
0x65: {  	_ =	shalt  }
0x66: {  	_ =	shalt  }
0x67: {  	_ =	shalt  }
0x68: {  	_ =	shalt  }
0x69: {  	_ =	shalt  }
0x6a: {  	_ =	shalt  }
0x6b: {  	_ =	shalt  }
0x6c: {  	_ =	shalt  }
0x6d: {  	_ =	shalt  }
0x6e: {  	_ =	shalt  }
0x6f: {  	_ =	shalt  }
0x70: {  	_ =	shalt  }
0x71: {  	_ =	shalt  }
0x72: {  	_ =	shalt  }
0x73: {  	_ =	shalt  }
0x74: {  	_ =	shalt  }
0x75: {  	_ =	shalt  }
0x76: {  	_ =	shalt  }
0x77: {  	_ =	shalt  }
0x78: {  	_ =	shalt  }
0x79: {  	_ =	shalt  }
0x7a: {  	_ =	shalt  }
0x7b: {  	_ =	shalt  }
0x7c: {  	_ =	shalt  }
0x7d: {  	_ =	shalt  }
0x7e: {  	_ =	shalt  }
0x7f: {  	_ =	shalt  }
0x80: {  	_ =	shalt  }
0x81: {  	_ =	shalt  }
0x82: {  	_ =	shalt  }
0x83: {  	_ =	shalt  }
0x84: {  	_ =	shalt  }
0x85: {  	_ =	shalt  }
0x86: {  	_ =	shalt  }
0x87: {  	_ =	shalt  }
.Lfunc_end0:
.L_simem_size_0:
called_computation_lowered:
.L_overlay_start_0:
0x88: {  	s2 =	sld [smem:$0x3FD9]  }
0x89: {  	s3 =	sld [smem:$0x3FFE];
	_ =	sdelay $0x1  }
0x8a: {  	s1 =	srdreg.scid  }
0x8b: {  	s0 =	sand.u32 $0x1, s1  }
0x8c: {  	s17 =	sshll.u32 s0, $0xA;
	s2 =	sadd.s32 s3, s2  }
0x8d: {  	s2 =	sadd.s32 s2, s17  }
0x8e: {  	[smem:$0x3FB4] =	sst s2  }
0x8f: {  	_ = 	snop  }
0x90: {  	s2 =	sld [smem:$0x3FD0];
	(tm) =	ssettm $0x1  }
0x91: {  	s18 =	sld [smem:$0x3FFB];
	_ =	sdelay $0x3  }
0x92: {  	_ =	strace s18  }
0x93: {  	s3 =	sld [smem:$0x3FFC];
	_ =	sdelay $0x3  }
0x94: {  	_ =	strace s3  }
0x95: {  	s3 =	sld [smem:$0x3FFD];
	_ =	sdelay $0x3  }
0x96: {  	_ =	strace s3  }
0x97: {  	_ =	strace $0x8FFFFFFF  }
0x98: {  	s19 =	sld [smem:$0x3FDB];
	_ =	sdelay $0x1  }
0x99: {  	s4 =	simm.s32 $_scs_section_size  }
0x9a: {  	s5 =	simm.s32 $_size__tile_overlayer_lowered;
	s6 =	simm.s32 $_tile_overlayer_lowered  }
0x9b: {  	s22 =	simm.s32 $0x1BFF;
	s21 =	sshll.u32 s6, $0x1;
	s3 =	sadd.s32 s4, s19  }
0x9c: {  	s7 =	simm.s32 $0x0;
	s20 =	sshll.u32 s5, $0x1;
	s5 =	sadd.s32 s21, s3  }
0x9d: {  	[timem:s7], [sflag:s22] =	dma.local [hbm:s5], s20  }
0x9e: {  	_ =	swait.ge [sflag:s22], s20  }
0x9f: {  	s4 =	ssub.s32 $0x0, s20;
	[sflag:s22] =	ssyncset.done $0x0  }
0xa0: {  	[sflag:s22] =	ssyncadd.s32 s4;
	_ =	sdelay $0x1  }
0xa1: {  	s23 =	simm.s32 $0x1B8B  }
0xa2: {  	_ =	swait.ge [sflag:s23], $0x1  }
0xa3: {  	[sflag:s23] =	ssyncset.done $0x0  }
0xa4: {  	s25 =	simm.s32 $0x1B8E;
	s24 =	sld [smem:$0x3FFE];
	[sflag:s23] =	ssyncadd.s32 $0xFFFFFFFF  }
0xa5: {  	s26 =	simm.s32 $execute0_lowered;
	[smem:$0x3FD2] =	sst s25  }
0xa6: {  	s5 =	sshll.u32 s26, $0x1;
	_ =	strace $0x80000046;
	[dreg:$0x1] =	wrdreg $0xFFFFFFFF  }
0xa7: {  	s28 =	simm.s32 $_size_execute0_lowered;
	s3 =	sadd.s32 s3, s5;
	[dreg:$0x0] =	wrdreg $0x0  }
0xa8: {  	s5 =	sshll.u32 s28, $0x1;
	[dreg:$0x2] =	wrdreg s3  }
0xa9: {  	[dreg:$0x3] =	wrdreg s5  }
0xaa: {  	[dreg:$0x4] =	wrdreg $0xC0  }
0xab: {  	_ =	task [dreg:s7], $0x5FFFF  }
0xac: {  	[dreg:$0x1] =	wrdreg $0xFFFFFFFF  }
0xad: {  	[dreg:$0x0] =	wrdreg $0x60  }
0xae: {  	[dreg:$0x2] =	wrdreg s2  }
0xaf: {  	[dreg:$0x3] =	wrdreg s24  }
0xb0: {  	[dreg:$0x4] =	wrdreg $0x9  }
0xb1: {  	_ =	task.clear_ibuf [dreg:s7], $0x5FFFF;
	_ =	strace $0x90000046  }
0xb2: {  	s29 =	simm.s32 $0x9;
	_ =	strace $0x80000048  }
0xb3: {  	_ =	swait.ge [sflag:s29], $0x1  }
0xb4: {  	[sflag:s29] =	ssyncadd.s32 $0xFFFFFFFF  }
0xb5: {  	_ =	strace $0x90000048  }
0xb6: {  	_ =	sfence  }
0xb7: {  	s30 =	sld [smem:$0x0];
	_ =	sdelay $0x2  }
0xb8: {  	s31 =	sshll.u32 s1, $0xD;
	s1 =	sshrl.u32 s1, $0x2  }
0xb9: {  	s3 =	sand.u32 $0x4000, s31;
	s1 =	sadd.s32 s1, s30  }
0xba: {  	s0 =	sor.u32 s3, s0;
	s1 =	sshll.u32 s1, $0x11  }
0xbb: {  	s0 =	sor.u32 s1, s0  }
0xbc: {  	s0 =	sadd.s32 $0x8F2B, s0  }
0xbd: {  	[sflag:s0] =	ssyncadd.remote.s32 $0x1  }
0xbe: {  	_ =	sfence.sel $0xFFFF  }
0xbf: {  	[dreg:$0x0] =	wrdreg $0xFFFFFFFF;
	(pc) =	sbr.abs _section_cstart, $3  }
0xc0: {  	[dreg:$0x1] =	wrdreg $0xFFFFFFFF  }
0xc1: {  	_ =	task.clear_ibuf [dreg:s7], $0x2FFFF;
	_ =	strace $0x9FFFFFFF  }
0xc2: {  	(tm) =	ssettm $0x7FFFFFFF  }
0xc3: {  	_ =	shalt  }
tec
execute0_lowered:
.L_overlay_start_1:
0x0: {  	(tag) =	ssettag $0x1  }
0x1: {  	s2 =	rddreg [dreg:$0x0]  }
0x2: {  	s4 =	rddreg [dreg:$0x1]  }
0x3: {  	s0 =	rddreg [dreg:$0x2];
	s1 =	stileid.u32  }
0x4: {  	s5 =	srdreg.scid;
	s3 =	simm.s32 $0x0;
	s6 =	smul.u32 $0xC000, s1  }
0x5: {  	s10 =	simm.s32 $0x0;
	s5 =	sand.u32 $0x1, s5;
	s8 =	smul.u32 $0xC0000, s1  }
0x6: {  	[smem:$0x7FF] =	sst s3;
	s7 =	smul.u32 $0x6000, s5;
	s9 =	ssub.s32 $0x2, s5  }
0x7: {  	_ =	strace $0x80000047;
	s5 =	smul.u32 $0x60000, s5;
	s31 =	sshrl.u32 s9, $0x1  }
0x8: {  	s8 =	sadd.s32 s8, s4;
	s6 =	sadd.s32 s7, s6;
	s7 =	ssub.s32 s9, s31  }
0x9: {  	s5 =	sadd.s32 s5, s8;
	s8 =	simm.s32 $0x200;
	s6 =	sshrl.u32 s6, $0x3  }
0xa: {  	s9 =	simm.s32 $0x1;
	s5 =	sadd.s32 $0x1AC00, s5;
	s6 =	sadd.s32 s6, s4  }
0xb: {  	s4 =	smax.u32 s7, $0x1;
	s7 =	simm.s32 $0x2;
	s6 =	sadd.s32 $0x2C00, s6  }
.LBB2_1:
0xc: {  	s11 =	sadd.s32 $0x0, s6  }
0xd: {  	[tilespmem:s3], [sflag:$0x2] =	stream.linear.gather [hbm4b:s11+s3], $0x200, $0x38;
	[tilespmem:$0x10200] =	vst v63  }
0xe: {  	_ =	swait.ge [sflag:s7], $0x200  }
0xf: {  	[sflag:s7] =	ssyncset.done $0x0  }
0x10: {  	[sflag:s7] =	ssyncadd.s32 $0xFFFFFE00  }
0x11: {  	[tilespmem:s8], [sflag:$0x1] =	stream.indirect.gather [hbm4b:s2+s8], $0x80, s3, s8, $0xb8;
	[tilespmem:$0x10200] =	vst v63  }
0x12: {  	_ =	swait.ge [sflag:s9], $0x10000  }
0x13: {  	[sflag:s9] =	ssyncset.done $0x0  }
0x14: {  	[sflag:s9] =	ssyncadd.s32 $0xFFFF0000  }
0x15: {  	[hbm4b:s5+s3] =	stream.linear.scatter [tilespmem:s8], [sflag:$0x2], $0x10000, $0x38;
	[tilespmem:$0x10200] =	vst v63  }
0x16: {  	s12 =	simm.s32 $0x40;
	_ =	swait.ge [sflag:s7], $0x10000  }
0x17: {  	s13 =	simm.s32 $0x80;
	s11 =	sadd.s32 $0x2000, s5;
	[sflag:s7] =	ssyncset.done $0x0  }
.LBB2_2:
0x18: {  	s14 =	sadd.s32 s12, s6  }
0x19: {  	[sflag:s7] =	ssyncadd.s32 $0xFFFF0000;
	s12 =	smov.u32 s13;
	s15 =	sadd.s32 $0x40, s13  }
0x1a: {  	[tilespmem:s3], [sflag:$0x2] =	stream.linear.gather [hbm4b:s14+s3], $0x200, $0x38;
	[tilespmem:$0x10200] =	vst v63  }
0x1b: {  	p0 =	sne.s32 s13, $0xBC0;
	_ =	swait.ge [sflag:s7], $0x200  }
0x1c: {  	[sflag:s7] =	ssyncset.done $0x0  }
0x1d: {  	[sflag:s7] =	ssyncadd.s32 $0xFFFFFE00  }
0x1e: {  	[tilespmem:s8], [sflag:$0x1] =	stream.indirect.gather [hbm4b:s2+s8], $0x80, s3, s8, $0xb8;
	[tilespmem:$0x10200] =	vst v63  }
0x1f: {  	_ =	swait.ge [sflag:s9], $0x10000  }
.Ltmp0:
0x20: {  	[sflag:s9] =	ssyncset.done $0x0;
	(pc) =	sbr.rel @p0 .LBB2_2-.Ltmp0, $4  }
0x21: {  	[sflag:s9] =	ssyncadd.s32 $0xFFFF0000  }
0x22: {  	[hbm4b:s11+s3] =	stream.linear.scatter [tilespmem:s8], [sflag:$0x2], $0x10000, $0x38;
	[tilespmem:$0x10200] =	vst v63  }
0x23: {  	_ =	swait.ge [sflag:s7], $0x10000  }
0x24: {  	s13 =	smov.u32 s15;
	s11 =	sadd.s32 $0x2000, s11;
	[sflag:s7] =	ssyncset.done $0x0  }
0x25: {  	s12 =	sadd.s32 s12, s6;
	[sflag:s7] =	ssyncadd.s32 $0xFFFF0000  }
0x26: {  	[tilespmem:s3], [sflag:$0x2] =	stream.linear.gather [hbm4b:s12+s3], $0x200, $0x38;
	[tilespmem:$0x10200] =	vst v63  }
0x27: {  	_ =	swait.ge [sflag:s7], $0x200  }
0x28: {  	[sflag:s7] =	ssyncset.done $0x0  }
0x29: {  	[sflag:s7] =	ssyncadd.s32 $0xFFFFFE00  }
0x2a: {  	[tilespmem:s8], [sflag:$0x1] =	stream.indirect.gather [hbm4b:s2+s8], $0x80, s3, s8, $0xb8;
	[tilespmem:$0x10200] =	vst v63  }
0x2b: {  	s10 =	sadd.s32 $0x1, s10;
	_ =	swait.ge [sflag:s9], $0x10000  }
0x2c: {  	p0 =	sne.s32 s10, s4;
	[sflag:s9] =	ssyncset.done $0x0  }
.Ltmp1:
0x2d: {  	[sflag:s9] =	ssyncadd.s32 $0xFFFF0000;
	(pc) =	sbr.rel @p0 .LBB2_1-.Ltmp1, $4  }
0x2e: {  	[hbm4b:s11+s3] =	stream.linear.scatter [tilespmem:s8], [sflag:$0x2], $0x10000, $0x38;
	[tilespmem:$0x10200] =	vst v63  }
0x2f: {  	_ =	swait.ge [sflag:s7], $0x10000  }
0x30: {  	[sflag:s7] =	ssyncset.done $0x0  }
0x31: {  	[sflag:s7] =	ssyncadd.s32 $0xFFFF0000  }
0x32: {  	_ =	sfence.sel $0x180000  }
0x33: {  	[bflag:$0x0] =	sbarrier.arrive $0xFFFF  }
0x34: {  	p0 =	sne.s32 s1, $0x0;
	_ =	strace $0x90000047  }
0x35: {  	s0 =	sadd.s32 @!p0 $0x100000, s0;
	[bflag:$0x2] =	sbarrier.arrive $0xFFFF  }
0x36: {  	[sflag:s0] =	ssyncadd.tile.s32 @!p0 $0x1;
	_ =	shalt  }
.Lfunc_end2:
_tile_overlayer_lowered:
.L_overlay_start_2:
0x37: {  	(tag) =	ssettag $0x2  }
0x38: {  	s0 =	rddreg [dreg:$0x0];
	s2 =	stileid.u32  }
0x39: {  	s1 =	rddreg [dreg:$0x1];
	p0 =	sne.s32 s2, $0x0  }
0x3a: {  	s3 =	rddreg [dreg:$0x2];
	[bflag:$0x3] =	sbarrier.arrive $0xFFFF;
	s2 =	simm.s32 @!p0 $0x1C02  }
0x3b: {  	[timem:s3], [sflag:s2] =	dma.local @!p0 [hbm:s0], s1  }
0x3c: {  	s0 =	simm.s32 @!p0 $0x2  }
0x3d: {  	_ =	swait.ge @!p0 [sflag:s0], s1  }
0x3e: {  	s1 =	ssub.s32 @!p0 $0x0, s1;
	[sflag:s0] =	ssyncset.done @!p0 $0x0  }
0x3f: {  	[sflag:s0] =	ssyncadd.s32 @!p0 s1  }
0x40: {  	[bflag:$0x3] =	sbarrier.arrive $0xFFFF  }
0x41: {  	_ =	shalt  }

</sc_bundles>
